<compile_context>
chip_gen: v7x
topology: tpu7x:2x2x1
jax: 0.10.2.dev20260603
libtpu: 0.0.44.dev20260713+nightly
codegen_flags: <defaults>
</compile_context>

<pallas_src>
import functools

import jax
import jax.numpy as jnp
from jax import lax
from jax.experimental import pallas as pl
from jax.experimental.pallas import tpu as pltpu
from jax.experimental.pallas import tpu_sc as plsc

_N = 131072
_D = 256
_T = 640
_BETA = 0.25
_BN = 512

_NC = 2
_NS = 16
_NW = _NC * _NS
_CH = 64
_RPW = _N // _NW
_NCH = _RPW // _CH
_DEPTH = 4
_NQ = _NCH // _DEPTH


def _vq_block(at_ref, e_ref, w_ref, idx_ref, loss_ref):
    e = e_ref[...]
    w = w_ref[...]
    at = at_ref[0]

    s = jnp.dot(e, w.T, preferred_element_type=jnp.float32)
    w_sq = jnp.sum(w * w, axis=1)
    e_sq = jnp.sum(e * e, axis=1, keepdims=True)

    cols = jax.lax.broadcasted_iota(jnp.int32, (1, _T), 1)
    col_seg = ((cols >= 129).astype(jnp.int32)
               + (cols >= 257).astype(jnp.int32)
               + (cols >= 385).astype(jnp.int32)
               + (cols >= 513).astype(jnp.int32)
               + (cols >= 577).astype(jnp.int32))
    invalid = ((cols == 128) | (cols == 256) | (cols == 384)
               | (cols == 512) | (cols == 576))
    col_seg = jnp.where(invalid, -1, col_seg)

    seg = jnp.where(at == 5, 0,
          jnp.where(at == 6, 1,
          jnp.where(at == 7, 2,
          jnp.where(at == 119, 4,
          jnp.where(at == 120, 5, 3)))))

    d = (-2.0 * s) + w_sq[None, :]
    d = jnp.where(col_seg != seg, jnp.inf, d)
    idx = jnp.argmin(d, axis=1).astype(jnp.int32)[:, None]
    mind = jnp.min(d, axis=1)

    idx_ref[...] = idx

    @pl.when(pl.program_id(0) == 0)
    def _():
        loss_ref[...] = jnp.zeros((1, 1), jnp.float32)
    loss_ref[...] += jnp.sum(e_sq + mind[:, None]).reshape(1, 1)


_sc_mesh = plsc.VectorSubcoreMesh(core_axis_name="c", subcore_axis_name="s")


@functools.partial(
    pl.kernel,
    mesh=_sc_mesh,
    out_type=jax.ShapeDtypeStruct((_N, _D), jnp.float32),
    scratch_types=(
        [pltpu.VMEM((_NCH, _CH), jnp.int32)]
        + [pltpu.VMEM((_CH, _D), jnp.float32) for _ in range(_DEPTH)]
        + [pltpu.SemaphoreType.DMA for _ in range(2 * _DEPTH)]
    ),
)
def _sc_gather(w_hbm, idx_hbm, out_hbm, idx_all, r0, r1, r2, r3,
               g0, g1, g2, g3, s0, s1, s2, s3):
    wid = lax.axis_index("s") * _NC + lax.axis_index("c")
    cbase = wid * _NCH
    rows = (r0, r1, r2, r3)
    gsem = (g0, g1, g2, g3)
    ssem = (s0, s1, s2, s3)

    pltpu.sync_copy(idx_hbm.at[pl.ds(cbase, _NCH)], idx_all)

    def gather_start(c, l):
        pltpu.async_copy(w_hbm.at[idx_all.at[c]], rows[l], gsem[l])

    def gather_wait(l):
        pltpu.make_async_copy(w_hbm.at[idx_all.at[0]], rows[l], gsem[l]).wait()

    def store_start(c, l):
        pltpu.async_copy(rows[l], out_hbm.at[pl.ds((cbase + c) * _CH, _CH)],
                         ssem[l])

    def store_wait(l):
        pltpu.make_async_copy(rows[l], out_hbm.at[pl.ds(0, _CH)],
                              ssem[l]).wait()

    for l in range(_DEPTH):
        gather_start(l, l)

    def body(j, carry):
        for l in range(_DEPTH):
            gather_wait(l)
            store_start(_DEPTH * j + l, l)
        for l in range(_DEPTH):
            store_wait(l)
            gather_start(_DEPTH * (j + 1) + l, l)
        return carry

    lax.fori_loop(0, _NQ - 1, body, 0)

    for l in range(_DEPTH):
        gather_wait(l)
        store_start(_DEPTH * (_NQ - 1) + l, l)
    for l in range(_DEPTH):
        store_wait(l)


@jax.jit
def _vq(at3, e, W):
    nb = _N // _BN
    idx, loss_sum = pl.pallas_call(
        _vq_block,
        grid=(nb,),
        in_specs=[
            pl.BlockSpec((1, _BN, 1), lambda i: (i, 0, 0)),
            pl.BlockSpec((_BN, _D), lambda i: (i, 0)),
            pl.BlockSpec((_T, _D), lambda i: (0, 0)),
        ],
        out_specs=[
            pl.BlockSpec((_BN, 1), lambda i: (i, 0)),
            pl.BlockSpec((1, 1), lambda i: (0, 0)),
        ],
        out_shape=[
            jax.ShapeDtypeStruct((_N, 1), jnp.int32),
            jax.ShapeDtypeStruct((1, 1), jnp.float32),
        ],
    )(at3, e, W)
    q = _sc_gather(W, idx.reshape(_N // _CH, _CH))
    return q, loss_sum


def kernel(x, e, W):
    at3 = x[:, 0].astype(jnp.int32).reshape(_N // _BN, _BN, 1)
    q, loss_sum = _vq(at3, e, W)
    cl = loss_sum[0, 0] / (_N * _D)
    gl = cl
    vq_loss = cl + _BETA * gl
    return (q, cl, gl, vq_loss)

# --- scband reference (transcript-rebuilt; emitter-appended) ---
"""Pipeline reference for scband-vector-quantizer-61211873902974 (READ-ONLY COPY).

The authoritative reference and input builder live on the scoring server;
editing this copy changes nothing except your own understanding.
"""

import jax, jax.numpy as jnp
import numpy as np

N = 131072
EMBED_DIM = 256
NUM_TOKENS = 640
BETA = 0.25


def setup_inputs(seed: int = 0) -> dict:
    key = jax.random.key(seed)
    k1, k2, k3 = jax.random.split(key, 3)
    x = jax.random.randint(k1, (N, 2), 0, 121)
    e = jax.random.normal(k2, (N, EMBED_DIM), dtype=jnp.float32)
    # learned codebook (nn.Embedding weight), default N(0,1) init
    W = jax.random.normal(k3, (NUM_TOKENS, EMBED_DIM), dtype=jnp.float32)
    return {"x": x, "e": e, "W": W}


def reference(x, e, W):
    atom_type = x[:, 0]
    index_c = atom_type == 5
    index_n = atom_type == 6
    index_o = atom_type == 7
    index_m = atom_type == 119
    index_g = atom_type == 120
    index_others = ~(index_c | index_n | index_o | index_m | index_g)
    index_list = [index_c, index_n, index_o, index_others, index_m, index_g]
    end_points = [128, 256, 384, 512, 576, 640]

    encoding_indices = jnp.ones((x.shape[0],), dtype=jnp.int32)
    e_sq = jnp.sum(e ** 2, axis=1, keepdims=True)
    start = 0
    for end, mask in zip(end_points, index_list):
        Wseg = W[start:end]
        distances = e_sq + jnp.sum(Wseg ** 2, axis=1) - 2.0 * jnp.matmul(e, Wseg.T)
        idx = jnp.argmin(distances, axis=1).astype(jnp.int32) + start
        encoding_indices = jnp.where(mask, idx, encoding_indices)
        start = end + 1  # faithful to original (includes the off-by-one)

    quantized = jnp.take(W, encoding_indices, axis=0)
    codebook_loss = jnp.mean((quantized - jax.lax.stop_gradient(e)) ** 2)
    gnn_loss = jnp.mean((e - jax.lax.stop_gradient(quantized)) ** 2)
    vq_loss = codebook_loss + BETA * gnn_loss
    quantized_out = e + jax.lax.stop_gradient(quantized - e)
    return (quantized_out, codebook_loss, gnn_loss, vq_loss)

if __name__ == "__main__":
    import jax
    _d = setup_inputs()
    print(jax.jit(kernel)(*tuple(_d.values())))

</pallas_src>

<mosaic_0001>
#map = affine_map<(d0, d1) -> (0, 0)>
module attributes {stable_mosaic.version = 14 : i64} {
  func.func @_sc_gather(%arg0: i32, %arg1: i32, %arg2: memref<640x256xf32, #tpu.memory_space<hbm>>, %arg3: memref<2048x64xi32, #tpu.memory_space<hbm>>, %arg4: memref<131072x256xf32, #tpu.memory_space<hbm>>, %arg5: memref<64x64xi32, #tpu.memory_space<vmem>>, %arg6: memref<64x256xf32, #tpu.memory_space<vmem>>, %arg7: memref<64x256xf32, #tpu.memory_space<vmem>>, %arg8: memref<64x256xf32, #tpu.memory_space<vmem>>, %arg9: memref<64x256xf32, #tpu.memory_space<vmem>>, %arg10: memref<!tpu.dma_semaphore, #tpu.memory_space<semaphore_mem>>, %arg11: memref<!tpu.dma_semaphore, #tpu.memory_space<semaphore_mem>>, %arg12: memref<!tpu.dma_semaphore, #tpu.memory_space<semaphore_mem>>, %arg13: memref<!tpu.dma_semaphore, #tpu.memory_space<semaphore_mem>>, %arg14: memref<!tpu.dma_semaphore, #tpu.memory_space<semaphore_mem>>, %arg15: memref<!tpu.dma_semaphore, #tpu.memory_space<semaphore_mem>>, %arg16: memref<!tpu.dma_semaphore, #tpu.memory_space<semaphore_mem>>, %arg17: memref<!tpu.dma_semaphore, #tpu.memory_space<semaphore_mem>>) attributes {dimension_semantics = [#tpu.dimension_semantics<core_parallel>, #tpu.dimension_semantics<subcore_parallel>], iteration_bounds = array<i64: 2, 16>, scalar_prefetch = 0 : i64, scratch_operands = 13 : i64, tpu.core_type = #tpu.core_type<sc_vector_subcore>, window_params = [{transform_indices = #map}, {transform_indices = #map}, {transform_indices = #map}]} {
    %mul3A = arith.constant 2 : i32
    %mul3A_0 = arith.muli %arg1, %mul3A : i32
    %add3A = arith.addi %mul3A_0, %arg0 : i32
    %mul3A_1 = arith.constant 64 : i32
    %mul3A_2 = arith.muli %add3A, %mul3A_1 : i32
    "tpu.region"() ({
      %run_scoped3A = tpu.sem_alloc : memref<!tpu.dma_semaphore, #tpu.memory_space<semaphore_mem>>
      %dma_start3A_118 = arith.constant 0 : i32
      %dma_start3A_119 = tpu.memref_slice %arg3[%mul3A_2, %dma_start3A_118] : memref<2048x64xi32, #tpu.memory_space<hbm>> -> memref<64x64xi32, #tpu.memory_space<hbm>>
      %dma_start3A_120 = arith.constant 0 : i32
      %dma_start3A_121 = tpu.memref_slice %arg3[%mul3A_2, %dma_start3A_120] : memref<2048x64xi32, #tpu.memory_space<hbm>> -> memref<64x64xi32, #tpu.memory_space<hbm>>
      tpu.enqueue_dma source(%dma_start3A_121 : memref<64x64xi32, #tpu.memory_space<hbm>>) target(%arg5 : memref<64x64xi32, #tpu.memory_space<vmem>>) target_semaphore(%run_scoped3A : memref<!tpu.dma_semaphore, #tpu.memory_space<semaphore_mem>>)
      %dma_wait3A_122 = arith.constant 0 : i32
      %dma_wait3A_123 = tpu.memref_slice %arg3[%mul3A_2, %dma_wait3A_122] : memref<2048x64xi32, #tpu.memory_space<hbm>> -> memref<64x64xi32, #tpu.memory_space<hbm>>
      %dma_wait3A_124 = arith.constant 0 : i32
      %dma_wait3A_125 = tpu.memref_slice %arg3[%mul3A_2, %dma_wait3A_124] : memref<2048x64xi32, #tpu.memory_space<hbm>> -> memref<64x64xi32, #tpu.memory_space<hbm>>
      tpu.wait_dma2 semaphore(%run_scoped3A : memref<!tpu.dma_semaphore, #tpu.memory_space<semaphore_mem>>) src(%dma_wait3A_125 : memref<64x64xi32, #tpu.memory_space<hbm>>) dst(%arg5 : memref<64x64xi32, #tpu.memory_space<vmem>>)
      tpu.yield
    }) : () -> ()
    %dma_start3A = arith.constant 0 : i32
    %dma_start3A_3 = arith.constant 0 : i32
    %dma_start3A_4 = tpu.memref_slice %arg5[%dma_start3A, %dma_start3A_3] : memref<64x64xi32, #tpu.memory_space<vmem>> -> memref<1x64xi32, #tpu.memory_space<vmem>>
    %dma_start3A_5 = tpu.memref_squeeze %dma_start3A_4 : memref<1x64xi32, #tpu.memory_space<vmem>> -> memref<64xi32, #tpu.memory_space<vmem>>
    %dma_start3A_6 = arith.constant 0 : i32
    %dma_start3A_7 = arith.constant 0 : i32
    %dma_start3A_8 = tpu.memref_slice %arg2[%dma_start3A_6, %dma_start3A_7] : memref<640x256xf32, #tpu.memory_space<hbm>> -> memref<640x256xf32, #tpu.memory_space<hbm>>
    tpu.enqueue_indirect_dma source(%dma_start3A_8 : memref<640x256xf32, #tpu.memory_space<hbm>>) target(%arg6 : memref<64x256xf32, #tpu.memory_space<vmem>>) offsets(%dma_start3A_5 : memref<64xi32, #tpu.memory_space<vmem>>) semaphore(%arg10 : memref<!tpu.dma_semaphore, #tpu.memory_space<semaphore_mem>>)
    %dma_start3A_9 = arith.constant 1 : i32
    %dma_start3A_10 = arith.constant 0 : i32
    %dma_start3A_11 = tpu.memref_slice %arg5[%dma_start3A_9, %dma_start3A_10] : memref<64x64xi32, #tpu.memory_space<vmem>> -> memref<1x64xi32, #tpu.memory_space<vmem>>
    %dma_start3A_12 = tpu.memref_squeeze %dma_start3A_11 : memref<1x64xi32, #tpu.memory_space<vmem>> -> memref<64xi32, #tpu.memory_space<vmem>>
    %dma_start3A_13 = arith.constant 0 : i32
    %dma_start3A_14 = arith.constant 0 : i32
    %dma_start3A_15 = tpu.memref_slice %arg2[%dma_start3A_13, %dma_start3A_14] : memref<640x256xf32, #tpu.memory_space<hbm>> -> memref<640x256xf32, #tpu.memory_space<hbm>>
    tpu.enqueue_indirect_dma source(%dma_start3A_15 : memref<640x256xf32, #tpu.memory_space<hbm>>) target(%arg7 : memref<64x256xf32, #tpu.memory_space<vmem>>) offsets(%dma_start3A_12 : memref<64xi32, #tpu.memory_space<vmem>>) semaphore(%arg11 : memref<!tpu.dma_semaphore, #tpu.memory_space<semaphore_mem>>)
    %dma_start3A_16 = arith.constant 2 : i32
    %dma_start3A_17 = arith.constant 0 : i32
    %dma_start3A_18 = tpu.memref_slice %arg5[%dma_start3A_16, %dma_start3A_17] : memref<64x64xi32, #tpu.memory_space<vmem>> -> memref<1x64xi32, #tpu.memory_space<vmem>>
    %dma_start3A_19 = tpu.memref_squeeze %dma_start3A_18 : memref<1x64xi32, #tpu.memory_space<vmem>> -> memref<64xi32, #tpu.memory_space<vmem>>
    %dma_start3A_20 = arith.constant 0 : i32
    %dma_start3A_21 = arith.constant 0 : i32
    %dma_start3A_22 = tpu.memref_slice %arg2[%dma_start3A_20, %dma_start3A_21] : memref<640x256xf32, #tpu.memory_space<hbm>> -> memref<640x256xf32, #tpu.memory_space<hbm>>
    tpu.enqueue_indirect_dma source(%dma_start3A_22 : memref<640x256xf32, #tpu.memory_space<hbm>>) target(%arg8 : memref<64x256xf32, #tpu.memory_space<vmem>>) offsets(%dma_start3A_19 : memref<64xi32, #tpu.memory_space<vmem>>) semaphore(%arg12 : memref<!tpu.dma_semaphore, #tpu.memory_space<semaphore_mem>>)
    %dma_start3A_23 = arith.constant 3 : i32
    %dma_start3A_24 = arith.constant 0 : i32
    %dma_start3A_25 = tpu.memref_slice %arg5[%dma_start3A_23, %dma_start3A_24] : memref<64x64xi32, #tpu.memory_space<vmem>> -> memref<1x64xi32, #tpu.memory_space<vmem>>
    %dma_start3A_26 = tpu.memref_squeeze %dma_start3A_25 : memref<1x64xi32, #tpu.memory_space<vmem>> -> memref<64xi32, #tpu.memory_space<vmem>>
    %dma_start3A_27 = arith.constant 0 : i32
    %dma_start3A_28 = arith.constant 0 : i32
    %dma_start3A_29 = tpu.memref_slice %arg2[%dma_start3A_27, %dma_start3A_28] : memref<640x256xf32, #tpu.memory_space<hbm>> -> memref<640x256xf32, #tpu.memory_space<hbm>>
    tpu.enqueue_indirect_dma source(%dma_start3A_29 : memref<640x256xf32, #tpu.memory_space<hbm>>) target(%arg9 : memref<64x256xf32, #tpu.memory_space<vmem>>) offsets(%dma_start3A_26 : memref<64xi32, #tpu.memory_space<vmem>>) semaphore(%arg13 : memref<!tpu.dma_semaphore, #tpu.memory_space<semaphore_mem>>)
    %scan3A = arith.constant 0 : i32
    %scan3A_30 = arith.constant 0 : i32
    %scan3A_31 = arith.constant 15 : i32
    %scan3A_32 = arith.addi %scan3A_30, %scan3A_31 : i32
    %scan3A_33 = arith.constant 1 : i32
    scf.for %scan3A_118 = %scan3A_30 to %scan3A_32 step %scan3A_33  : i32 {
      %dma_wait3A_119 = arith.constant 0 : i32
      %dma_wait3A_120 = arith.constant 0 : i32
      %dma_wait3A_121 = tpu.memref_slice %arg5[%dma_wait3A_119, %dma_wait3A_120] : memref<64x64xi32, #tpu.memory_space<vmem>> -> memref<1x64xi32, #tpu.memory_space<vmem>>
      %dma_wait3A_122 = tpu.memref_squeeze %dma_wait3A_121 : memref<1x64xi32, #tpu.memory_space<vmem>> -> memref<64xi32, #tpu.memory_space<vmem>>
      %dma_wait3A_123 = arith.constant 0 : i32
      %dma_wait3A_124 = arith.constant 0 : i32
      %dma_wait3A_125 = tpu.memref_slice %arg2[%dma_wait3A_123, %dma_wait3A_124] : memref<640x256xf32, #tpu.memory_space<hbm>> -> memref<640x256xf32, #tpu.memory_space<hbm>>
      tpu.wait_indirect_dma semaphore(%arg10 : memref<!tpu.dma_semaphore, #tpu.memory_space<semaphore_mem>>) src(%dma_wait3A_125 : memref<640x256xf32, #tpu.memory_space<hbm>>) dst(%arg6 : memref<64x256xf32, #tpu.memory_space<vmem>>)
      %mul3A_126 = arith.constant 4 : i32
      %mul3A_127 = arith.muli %mul3A_126, %scan3A_118 : i32
      %add3A_128 = arith.constant 0 : i32
      %add3A_129 = arith.addi %mul3A_127, %add3A_128 : i32
      %add3A_130 = arith.addi %mul3A_2, %add3A_129 : i32
      %mul3A_131 = arith.constant 64 : i32
      %mul3A_132 = arith.muli %add3A_130, %mul3A_131 : i32
      %dma_start3A_133 = arith.constant 0 : i32
      %dma_start3A_134 = tpu.memref_slice %arg4[%mul3A_132, %dma_start3A_133] : memref<131072x256xf32, #tpu.memory_space<hbm>> -> memref<64x256xf32, #tpu.memory_space<hbm>>
      %dma_start3A_135 = arith.constant 0 : i32
      %dma_start3A_136 = tpu.memref_slice %arg4[%mul3A_132, %dma_start3A_135] : memref<131072x256xf32, #tpu.memory_space<hbm>> -> memref<64x256xf32, #tpu.memory_space<hbm>>
      tpu.enqueue_dma source(%arg6 : memref<64x256xf32, #tpu.memory_space<vmem>>) target(%dma_start3A_136 : memref<64x256xf32, #tpu.memory_space<hbm>>) target_semaphore(%arg14 : memref<!tpu.dma_semaphore, #tpu.memory_space<semaphore_mem>>)
      %dma_wait3A_137 = arith.constant 0 : i32
      %dma_wait3A_138 = arith.constant 0 : i32
      %dma_wait3A_139 = tpu.memref_slice %arg5[%dma_wait3A_137, %dma_wait3A_138] : memref<64x64xi32, #tpu.memory_space<vmem>> -> memref<1x64xi32, #tpu.memory_space<vmem>>
      %dma_wait3A_140 = tpu.memref_squeeze %dma_wait3A_139 : memref<1x64xi32, #tpu.memory_space<vmem>> -> memref<64xi32, #tpu.memory_space<vmem>>
      %dma_wait3A_141 = arith.constant 0 : i32
      %dma_wait3A_142 = arith.constant 0 : i32
      %dma_wait3A_143 = tpu.memref_slice %arg2[%dma_wait3A_141, %dma_wait3A_142] : memref<640x256xf32, #tpu.memory_space<hbm>> -> memref<640x256xf32, #tpu.memory_space<hbm>>
      tpu.wait_indirect_dma semaphore(%arg11 : memref<!tpu.dma_semaphore, #tpu.memory_space<semaphore_mem>>) src(%dma_wait3A_143 : memref<640x256xf32, #tpu.memory_space<hbm>>) dst(%arg7 : memref<64x256xf32, #tpu.memory_space<vmem>>)
      %mul3A_144 = arith.constant 4 : i32
      %mul3A_145 = arith.muli %mul3A_144, %scan3A_118 : i32
      %add3A_146 = arith.constant 1 : i32
      %add3A_147 = arith.addi %mul3A_145, %add3A_146 : i32
      %add3A_148 = arith.addi %mul3A_2, %add3A_147 : i32
      %mul3A_149 = arith.constant 64 : i32
      %mul3A_150 = arith.muli %add3A_148, %mul3A_149 : i32
      %dma_start3A_151 = arith.constant 0 : i32
      %dma_start3A_152 = tpu.memref_slice %arg4[%mul3A_150, %dma_start3A_151] : memref<131072x256xf32, #tpu.memory_space<hbm>> -> memref<64x256xf32, #tpu.memory_space<hbm>>
      %dma_start3A_153 = arith.constant 0 : i32
      %dma_start3A_154 = tpu.memref_slice %arg4[%mul3A_150, %dma_start3A_153] : memref<131072x256xf32, #tpu.memory_space<hbm>> -> memref<64x256xf32, #tpu.memory_space<hbm>>
      tpu.enqueue_dma source(%arg7 : memref<64x256xf32, #tpu.memory_space<vmem>>) target(%dma_start3A_154 : memref<64x256xf32, #tpu.memory_space<hbm>>) target_semaphore(%arg15 : memref<!tpu.dma_semaphore, #tpu.memory_space<semaphore_mem>>)
      %dma_wait3A_155 = arith.constant 0 : i32
      %dma_wait3A_156 = arith.constant 0 : i32
      %dma_wait3A_157 = tpu.memref_slice %arg5[%dma_wait3A_155, %dma_wait3A_156] : memref<64x64xi32, #tpu.memory_space<vmem>> -> memref<1x64xi32, #tpu.memory_space<vmem>>
      %dma_wait3A_158 = tpu.memref_squeeze %dma_wait3A_157 : memref<1x64xi32, #tpu.memory_space<vmem>> -> memref<64xi32, #tpu.memory_space<vmem>>
      %dma_wait3A_159 = arith.constant 0 : i32
      %dma_wait3A_160 = arith.constant 0 : i32
      %dma_wait3A_161 = tpu.memref_slice %arg2[%dma_wait3A_159, %dma_wait3A_160] : memref<640x256xf32, #tpu.memory_space<hbm>> -> memref<640x256xf32, #tpu.memory_space<hbm>>
      tpu.wait_indirect_dma semaphore(%arg12 : memref<!tpu.dma_semaphore, #tpu.memory_space<semaphore_mem>>) src(%dma_wait3A_161 : memref<640x256xf32, #tpu.memory_space<hbm>>) dst(%arg8 : memref<64x256xf32, #tpu.memory_space<vmem>>)
      %mul3A_162 = arith.constant 4 : i32
      %mul3A_163 = arith.muli %mul3A_162, %scan3A_118 : i32
      %add3A_164 = arith.constant 2 : i32
      %add3A_165 = arith.addi %mul3A_163, %add3A_164 : i32
      %add3A_166 = arith.addi %mul3A_2, %add3A_165 : i32
      %mul3A_167 = arith.constant 64 : i32
      %mul3A_168 = arith.muli %add3A_166, %mul3A_167 : i32
      %dma_start3A_169 = arith.constant 0 : i32
      %dma_start3A_170 = tpu.memref_slice %arg4[%mul3A_168, %dma_start3A_169] : memref<131072x256xf32, #tpu.memory_space<hbm>> -> memref<64x256xf32, #tpu.memory_space<hbm>>
      %dma_start3A_171 = arith.constant 0 : i32
      %dma_start3A_172 = tpu.memref_slice %arg4[%mul3A_168, %dma_start3A_171] : memref<131072x256xf32, #tpu.memory_space<hbm>> -> memref<64x256xf32, #tpu.memory_space<hbm>>
      tpu.enqueue_dma source(%arg8 : memref<64x256xf32, #tpu.memory_space<vmem>>) target(%dma_start3A_172 : memref<64x256xf32, #tpu.memory_space<hbm>>) target_semaphore(%arg16 : memref<!tpu.dma_semaphore, #tpu.memory_space<semaphore_mem>>)
      %dma_wait3A_173 = arith.constant 0 : i32
      %dma_wait3A_174 = arith.constant 0 : i32
      %dma_wait3A_175 = tpu.memref_slice %arg5[%dma_wait3A_173, %dma_wait3A_174] : memref<64x64xi32, #tpu.memory_space<vmem>> -> memref<1x64xi32, #tpu.memory_space<vmem>>
      %dma_wait3A_176 = tpu.memref_squeeze %dma_wait3A_175 : memref<1x64xi32, #tpu.memory_space<vmem>> -> memref<64xi32, #tpu.memory_space<vmem>>
      %dma_wait3A_177 = arith.constant 0 : i32
      %dma_wait3A_178 = arith.constant 0 : i32
      %dma_wait3A_179 = tpu.memref_slice %arg2[%dma_wait3A_177, %dma_wait3A_178] : memref<640x256xf32, #tpu.memory_space<hbm>> -> memref<640x256xf32, #tpu.memory_space<hbm>>
      tpu.wait_indirect_dma semaphore(%arg13 : memref<!tpu.dma_semaphore, #tpu.memory_space<semaphore_mem>>) src(%dma_wait3A_179 : memref<640x256xf32, #tpu.memory_space<hbm>>) dst(%arg9 : memref<64x256xf32, #tpu.memory_space<vmem>>)
      %mul3A_180 = arith.constant 4 : i32
      %mul3A_181 = arith.muli %mul3A_180, %scan3A_118 : i32
      %add3A_182 = arith.constant 3 : i32
      %add3A_183 = arith.addi %mul3A_181, %add3A_182 : i32
      %add3A_184 = arith.addi %mul3A_2, %add3A_183 : i32
      %mul3A_185 = arith.constant 64 : i32
      %mul3A_186 = arith.muli %add3A_184, %mul3A_185 : i32
      %dma_start3A_187 = arith.constant 0 : i32
      %dma_start3A_188 = tpu.memref_slice %arg4[%mul3A_186, %dma_start3A_187] : memref<131072x256xf32, #tpu.memory_space<hbm>> -> memref<64x256xf32, #tpu.memory_space<hbm>>
      %dma_start3A_189 = arith.constant 0 : i32
      %dma_start3A_190 = tpu.memref_slice %arg4[%mul3A_186, %dma_start3A_189] : memref<131072x256xf32, #tpu.memory_space<hbm>> -> memref<64x256xf32, #tpu.memory_space<hbm>>
      tpu.enqueue_dma source(%arg9 : memref<64x256xf32, #tpu.memory_space<vmem>>) target(%dma_start3A_190 : memref<64x256xf32, #tpu.memory_space<hbm>>) target_semaphore(%arg17 : memref<!tpu.dma_semaphore, #tpu.memory_space<semaphore_mem>>)
      %dma_wait3A_191 = arith.constant 0 : i32
      %dma_wait3A_192 = arith.constant 0 : i32
      %dma_wait3A_193 = tpu.memref_slice %arg4[%dma_wait3A_191, %dma_wait3A_192] : memref<131072x256xf32, #tpu.memory_space<hbm>> -> memref<64x256xf32, #tpu.memory_space<hbm>>
      %dma_wait3A_194 = arith.constant 0 : i32
      %dma_wait3A_195 = arith.constant 0 : i32
      %dma_wait3A_196 = tpu.memref_slice %arg4[%dma_wait3A_194, %dma_wait3A_195] : memref<131072x256xf32, #tpu.memory_space<hbm>> -> memref<64x256xf32, #tpu.memory_space<hbm>>
      tpu.wait_dma2 semaphore(%arg14 : memref<!tpu.dma_semaphore, #tpu.memory_space<semaphore_mem>>) src(%arg6 : memref<64x256xf32, #tpu.memory_space<vmem>>) dst(%dma_wait3A_196 : memref<64x256xf32, #tpu.memory_space<hbm>>)
      %add3A_197 = arith.constant 1 : i32
      %add3A_198 = arith.addi %scan3A_118, %add3A_197 : i32
      %mul3A_199 = arith.constant 4 : i32
      %mul3A_200 = arith.muli %mul3A_199, %add3A_198 : i32
      %add3A_201 = arith.constant 0 : i32
      %add3A_202 = arith.addi %mul3A_200, %add3A_201 : i32
      %dma_start3A_203 = arith.constant 0 : i32
      %dma_start3A_204 = tpu.memref_slice %arg5[%add3A_202, %dma_start3A_203] : memref<64x64xi32, #tpu.memory_space<vmem>> -> memref<1x64xi32, #tpu.memory_space<vmem>>
      %dma_start3A_205 = tpu.memref_squeeze %dma_start3A_204 : memref<1x64xi32, #tpu.memory_space<vmem>> -> memref<64xi32, #tpu.memory_space<vmem>>
      %dma_start3A_206 = arith.constant 0 : i32
      %dma_start3A_207 = arith.constant 0 : i32
      %dma_start3A_208 = tpu.memref_slice %arg2[%dma_start3A_206, %dma_start3A_207] : memref<640x256xf32, #tpu.memory_space<hbm>> -> memref<640x256xf32, #tpu.memory_space<hbm>>
      tpu.enqueue_indirect_dma source(%dma_start3A_208 : memref<640x256xf32, #tpu.memory_space<hbm>>) target(%arg6 : memref<64x256xf32, #tpu.memory_space<vmem>>) offsets(%dma_start3A_205 : memref<64xi32, #tpu.memory_space<vmem>>) semaphore(%arg10 : memref<!tpu.dma_semaphore, #tpu.memory_space<semaphore_mem>>)
      %dma_wait3A_209 = arith.constant 0 : i32
      %dma_wait3A_210 = arith.constant 0 : i32
      %dma_wait3A_211 = tpu.memref_slice %arg4[%dma_wait3A_209, %dma_wait3A_210] : memref<131072x256xf32, #tpu.memory_space<hbm>> -> memref<64x256xf32, #tpu.memory_space<hbm>>
      %dma_wait3A_212 = arith.constant 0 : i32
      %dma_wait3A_213 = arith.constant 0 : i32
      %dma_wait3A_214 = tpu.memref_slice %arg4[%dma_wait3A_212, %dma_wait3A_213] : memref<131072x256xf32, #tpu.memory_space<hbm>> -> memref<64x256xf32, #tpu.memory_space<hbm>>
      tpu.wait_dma2 semaphore(%arg15 : memref<!tpu.dma_semaphore, #tpu.memory_space<semaphore_mem>>) src(%arg7 : memref<64x256xf32, #tpu.memory_space<vmem>>) dst(%dma_wait3A_214 : memref<64x256xf32, #tpu.memory_space<hbm>>)
      %add3A_215 = arith.constant 1 : i32
      %add3A_216 = arith.addi %scan3A_118, %add3A_215 : i32
      %mul3A_217 = arith.constant 4 : i32
      %mul3A_218 = arith.muli %mul3A_217, %add3A_216 : i32
      %add3A_219 = arith.constant 1 : i32
      %add3A_220 = arith.addi %mul3A_218, %add3A_219 : i32
      %dma_start3A_221 = arith.constant 0 : i32
      %dma_start3A_222 = tpu.memref_slice %arg5[%add3A_220, %dma_start3A_221] : memref<64x64xi32, #tpu.memory_space<vmem>> -> memref<1x64xi32, #tpu.memory_space<vmem>>
      %dma_start3A_223 = tpu.memref_squeeze %dma_start3A_222 : memref<1x64xi32, #tpu.memory_space<vmem>> -> memref<64xi32, #tpu.memory_space<vmem>>
      %dma_start3A_224 = arith.constant 0 : i32
      %dma_start3A_225 = arith.constant 0 : i32
      %dma_start3A_226 = tpu.memref_slice %arg2[%dma_start3A_224, %dma_start3A_225] : memref<640x256xf32, #tpu.memory_space<hbm>> -> memref<640x256xf32, #tpu.memory_space<hbm>>
      tpu.enqueue_indirect_dma source(%dma_start3A_226 : memref<640x256xf32, #tpu.memory_space<hbm>>) target(%arg7 : memref<64x256xf32, #tpu.memory_space<vmem>>) offsets(%dma_start3A_223 : memref<64xi32, #tpu.memory_space<vmem>>) semaphore(%arg11 : memref<!tpu.dma_semaphore, #tpu.memory_space<semaphore_mem>>)
      %dma_wait3A_227 = arith.constant 0 : i32
      %dma_wait3A_228 = arith.constant 0 : i32
      %dma_wait3A_229 = tpu.memref_slice %arg4[%dma_wait3A_227, %dma_wait3A_228] : memref<131072x256xf32, #tpu.memory_space<hbm>> -> memref<64x256xf32, #tpu.memory_space<hbm>>
      %dma_wait3A_230 = arith.constant 0 : i32
      %dma_wait3A_231 = arith.constant 0 : i32
      %dma_wait3A_232 = tpu.memref_slice %arg4[%dma_wait3A_230, %dma_wait3A_231] : memref<131072x256xf32, #tpu.memory_space<hbm>> -> memref<64x256xf32, #tpu.memory_space<hbm>>
      tpu.wait_dma2 semaphore(%arg16 : memref<!tpu.dma_semaphore, #tpu.memory_space<semaphore_mem>>) src(%arg8 : memref<64x256xf32, #tpu.memory_space<vmem>>) dst(%dma_wait3A_232 : memref<64x256xf32, #tpu.memory_space<hbm>>)
      %add3A_233 = arith.constant 1 : i32
      %add3A_234 = arith.addi %scan3A_118, %add3A_233 : i32
      %mul3A_235 = arith.constant 4 : i32
      %mul3A_236 = arith.muli %mul3A_235, %add3A_234 : i32
      %add3A_237 = arith.constant 2 : i32
      %add3A_238 = arith.addi %mul3A_236, %add3A_237 : i32
      %dma_start3A_239 = arith.constant 0 : i32
      %dma_start3A_240 = tpu.memref_slice %arg5[%add3A_238, %dma_start3A_239] : memref<64x64xi32, #tpu.memory_space<vmem>> -> memref<1x64xi32, #tpu.memory_space<vmem>>
      %dma_start3A_241 = tpu.memref_squeeze %dma_start3A_240 : memref<1x64xi32, #tpu.memory_space<vmem>> -> memref<64xi32, #tpu.memory_space<vmem>>
      %dma_start3A_242 = arith.constant 0 : i32
      %dma_start3A_243 = arith.constant 0 : i32
      %dma_start3A_244 = tpu.memref_slice %arg2[%dma_start3A_242, %dma_start3A_243] : memref<640x256xf32, #tpu.memory_space<hbm>> -> memref<640x256xf32, #tpu.memory_space<hbm>>
      tpu.enqueue_indirect_dma source(%dma_start3A_244 : memref<640x256xf32, #tpu.memory_space<hbm>>) target(%arg8 : memref<64x256xf32, #tpu.memory_space<vmem>>) offsets(%dma_start3A_241 : memref<64xi32, #tpu.memory_space<vmem>>) semaphore(%arg12 : memref<!tpu.dma_semaphore, #tpu.memory_space<semaphore_mem>>)
      %dma_wait3A_245 = arith.constant 0 : i32
      %dma_wait3A_246 = arith.constant 0 : i32
      %dma_wait3A_247 = tpu.memref_slice %arg4[%dma_wait3A_245, %dma_wait3A_246] : memref<131072x256xf32, #tpu.memory_space<hbm>> -> memref<64x256xf32, #tpu.memory_space<hbm>>
      %dma_wait3A_248 = arith.constant 0 : i32
      %dma_wait3A_249 = arith.constant 0 : i32
      %dma_wait3A_250 = tpu.memref_slice %arg4[%dma_wait3A_248, %dma_wait3A_249] : memref<131072x256xf32, #tpu.memory_space<hbm>> -> memref<64x256xf32, #tpu.memory_space<hbm>>
      tpu.wait_dma2 semaphore(%arg17 : memref<!tpu.dma_semaphore, #tpu.memory_space<semaphore_mem>>) src(%arg9 : memref<64x256xf32, #tpu.memory_space<vmem>>) dst(%dma_wait3A_250 : memref<64x256xf32, #tpu.memory_space<hbm>>)
      %add3A_251 = arith.constant 1 : i32
      %add3A_252 = arith.addi %scan3A_118, %add3A_251 : i32
      %mul3A_253 = arith.constant 4 : i32
      %mul3A_254 = arith.muli %mul3A_253, %add3A_252 : i32
      %add3A_255 = arith.constant 3 : i32
      %add3A_256 = arith.addi %mul3A_254, %add3A_255 : i32
      %dma_start3A_257 = arith.constant 0 : i32
      %dma_start3A_258 = tpu.memref_slice %arg5[%add3A_256, %dma_start3A_257] : memref<64x64xi32, #tpu.memory_space<vmem>> -> memref<1x64xi32, #tpu.memory_space<vmem>>
      %dma_start3A_259 = tpu.memref_squeeze %dma_start3A_258 : memref<1x64xi32, #tpu.memory_space<vmem>> -> memref<64xi32, #tpu.memory_space<vmem>>
      %dma_start3A_260 = arith.constant 0 : i32
      %dma_start3A_261 = arith.constant 0 : i32
      %dma_start3A_262 = tpu.memref_slice %arg2[%dma_start3A_260, %dma_start3A_261] : memref<640x256xf32, #tpu.memory_space<hbm>> -> memref<640x256xf32, #tpu.memory_space<hbm>>
      tpu.enqueue_indirect_dma source(%dma_start3A_262 : memref<640x256xf32, #tpu.memory_space<hbm>>) target(%arg9 : memref<64x256xf32, #tpu.memory_space<vmem>>) offsets(%dma_start3A_259 : memref<64xi32, #tpu.memory_space<vmem>>) semaphore(%arg13 : memref<!tpu.dma_semaphore, #tpu.memory_space<semaphore_mem>>)
    }
    %scan3A_34 = arith.constant 15 : i32
    %dma_wait3A = arith.constant 0 : i32
    %dma_wait3A_35 = arith.constant 0 : i32
    %dma_wait3A_36 = tpu.memref_slice %arg5[%dma_wait3A, %dma_wait3A_35] : memref<64x64xi32, #tpu.memory_space<vmem>> -> memref<1x64xi32, #tpu.memory_space<vmem>>
    %dma_wait3A_37 = tpu.memref_squeeze %dma_wait3A_36 : memref<1x64xi32, #tpu.memory_space<vmem>> -> memref<64xi32, #tpu.memory_space<vmem>>
    %dma_wait3A_38 = arith.constant 0 : i32
    %dma_wait3A_39 = arith.constant 0 : i32
    %dma_wait3A_40 = tpu.memref_slice %arg2[%dma_wait3A_38, %dma_wait3A_39] : memref<640x256xf32, #tpu.memory_space<hbm>> -> memref<640x256xf32, #tpu.memory_space<hbm>>
    tpu.wait_indirect_dma semaphore(%arg10 : memref<!tpu.dma_semaphore, #tpu.memory_space<semaphore_mem>>) src(%dma_wait3A_40 : memref<640x256xf32, #tpu.memory_space<hbm>>) dst(%arg6 : memref<64x256xf32, #tpu.memory_space<vmem>>)
    %add3A_41 = arith.constant 60 : i32
    %add3A_42 = arith.addi %mul3A_2, %add3A_41 : i32
    %mul3A_43 = arith.constant 64 : i32
    %mul3A_44 = arith.muli %add3A_42, %mul3A_43 : i32
    %dma_start3A_45 = arith.constant 0 : i32
    %dma_start3A_46 = tpu.memref_slice %arg4[%mul3A_44, %dma_start3A_45] : memref<131072x256xf32, #tpu.memory_space<hbm>> -> memref<64x256xf32, #tpu.memory_space<hbm>>
    %dma_start3A_47 = arith.constant 0 : i32
    %dma_start3A_48 = tpu.memref_slice %arg4[%mul3A_44, %dma_start3A_47] : memref<131072x256xf32, #tpu.memory_space<hbm>> -> memref<64x256xf32, #tpu.memory_space<hbm>>
    tpu.enqueue_dma source(%arg6 : memref<64x256xf32, #tpu.memory_space<vmem>>) target(%dma_start3A_48 : memref<64x256xf32, #tpu.memory_space<hbm>>) target_semaphore(%arg14 : memref<!tpu.dma_semaphore, #tpu.memory_space<semaphore_mem>>)
    %dma_wait3A_49 = arith.constant 0 : i32
    %dma_wait3A_50 = arith.constant 0 : i32
    %dma_wait3A_51 = tpu.memref_slice %arg5[%dma_wait3A_49, %dma_wait3A_50] : memref<64x64xi32, #tpu.memory_space<vmem>> -> memref<1x64xi32, #tpu.memory_space<vmem>>
    %dma_wait3A_52 = tpu.memref_squeeze %dma_wait3A_51 : memref<1x64xi32, #tpu.memory_space<vmem>> -> memref<64xi32, #tpu.memory_space<vmem>>
    %dma_wait3A_53 = arith.constant 0 : i32
    %dma_wait3A_54 = arith.constant 0 : i32
    %dma_wait3A_55 = tpu.memref_slice %arg2[%dma_wait3A_53, %dma_wait3A_54] : memref<640x256xf32, #tpu.memory_space<hbm>> -> memref<640x256xf32, #tpu.memory_space<hbm>>
    tpu.wait_indirect_dma semaphore(%arg11 : memref<!tpu.dma_semaphore, #tpu.memory_space<semaphore_mem>>) src(%dma_wait3A_55 : memref<640x256xf32, #tpu.memory_space<hbm>>) dst(%arg7 : memref<64x256xf32, #tpu.memory_space<vmem>>)
    %add3A_56 = arith.constant 61 : i32
    %add3A_57 = arith.addi %mul3A_2, %add3A_56 : i32
    %mul3A_58 = arith.constant 64 : i32
    %mul3A_59 = arith.muli %add3A_57, %mul3A_58 : i32
    %dma_start3A_60 = arith.constant 0 : i32
    %dma_start3A_61 = tpu.memref_slice %arg4[%mul3A_59, %dma_start3A_60] : memref<131072x256xf32, #tpu.memory_space<hbm>> -> memref<64x256xf32, #tpu.memory_space<hbm>>
    %dma_start3A_62 = arith.constant 0 : i32
    %dma_start3A_63 = tpu.memref_slice %arg4[%mul3A_59, %dma_start3A_62] : memref<131072x256xf32, #tpu.memory_space<hbm>> -> memref<64x256xf32, #tpu.memory_space<hbm>>
    tpu.enqueue_dma source(%arg7 : memref<64x256xf32, #tpu.memory_space<vmem>>) target(%dma_start3A_63 : memref<64x256xf32, #tpu.memory_space<hbm>>) target_semaphore(%arg15 : memref<!tpu.dma_semaphore, #tpu.memory_space<semaphore_mem>>)
    %dma_wait3A_64 = arith.constant 0 : i32
    %dma_wait3A_65 = arith.constant 0 : i32
    %dma_wait3A_66 = tpu.memref_slice %arg5[%dma_wait3A_64, %dma_wait3A_65] : memref<64x64xi32, #tpu.memory_space<vmem>> -> memref<1x64xi32, #tpu.memory_space<vmem>>
    %dma_wait3A_67 = tpu.memref_squeeze %dma_wait3A_66 : memref<1x64xi32, #tpu.memory_space<vmem>> -> memref<64xi32, #tpu.memory_space<vmem>>
    %dma_wait3A_68 = arith.constant 0 : i32
    %dma_wait3A_69 = arith.constant 0 : i32
    %dma_wait3A_70 = tpu.memref_slice %arg2[%dma_wait3A_68, %dma_wait3A_69] : memref<640x256xf32, #tpu.memory_space<hbm>> -> memref<640x256xf32, #tpu.memory_space<hbm>>
    tpu.wait_indirect_dma semaphore(%arg12 : memref<!tpu.dma_semaphore, #tpu.memory_space<semaphore_mem>>) src(%dma_wait3A_70 : memref<640x256xf32, #tpu.memory_space<hbm>>) dst(%arg8 : memref<64x256xf32, #tpu.memory_space<vmem>>)
    %add3A_71 = arith.constant 62 : i32
    %add3A_72 = arith.addi %mul3A_2, %add3A_71 : i32
    %mul3A_73 = arith.constant 64 : i32
    %mul3A_74 = arith.muli %add3A_72, %mul3A_73 : i32
    %dma_start3A_75 = arith.constant 0 : i32
    %dma_start3A_76 = tpu.memref_slice %arg4[%mul3A_74, %dma_start3A_75] : memref<131072x256xf32, #tpu.memory_space<hbm>> -> memref<64x256xf32, #tpu.memory_space<hbm>>
    %dma_start3A_77 = arith.constant 0 : i32
    %dma_start3A_78 = tpu.memref_slice %arg4[%mul3A_74, %dma_start3A_77] : memref<131072x256xf32, #tpu.memory_space<hbm>> -> memref<64x256xf32, #tpu.memory_space<hbm>>
    tpu.enqueue_dma source(%arg8 : memref<64x256xf32, #tpu.memory_space<vmem>>) target(%dma_start3A_78 : memref<64x256xf32, #tpu.memory_space<hbm>>) target_semaphore(%arg16 : memref<!tpu.dma_semaphore, #tpu.memory_space<semaphore_mem>>)
    %dma_wait3A_79 = arith.constant 0 : i32
    %dma_wait3A_80 = arith.constant 0 : i32
    %dma_wait3A_81 = tpu.memref_slice %arg5[%dma_wait3A_79, %dma_wait3A_80] : memref<64x64xi32, #tpu.memory_space<vmem>> -> memref<1x64xi32, #tpu.memory_space<vmem>>
    %dma_wait3A_82 = tpu.memref_squeeze %dma_wait3A_81 : memref<1x64xi32, #tpu.memory_space<vmem>> -> memref<64xi32, #tpu.memory_space<vmem>>
    %dma_wait3A_83 = arith.constant 0 : i32
    %dma_wait3A_84 = arith.constant 0 : i32
    %dma_wait3A_85 = tpu.memref_slice %arg2[%dma_wait3A_83, %dma_wait3A_84] : memref<640x256xf32, #tpu.memory_space<hbm>> -> memref<640x256xf32, #tpu.memory_space<hbm>>
    tpu.wait_indirect_dma semaphore(%arg13 : memref<!tpu.dma_semaphore, #tpu.memory_space<semaphore_mem>>) src(%dma_wait3A_85 : memref<640x256xf32, #tpu.memory_space<hbm>>) dst(%arg9 : memref<64x256xf32, #tpu.memory_space<vmem>>)
    %add3A_86 = arith.constant 63 : i32
    %add3A_87 = arith.addi %mul3A_2, %add3A_86 : i32
    %mul3A_88 = arith.constant 64 : i32
    %mul3A_89 = arith.muli %add3A_87, %mul3A_88 : i32
    %dma_start3A_90 = arith.constant 0 : i32
    %dma_start3A_91 = tpu.memref_slice %arg4[%mul3A_89, %dma_start3A_90] : memref<131072x256xf32, #tpu.memory_space<hbm>> -> memref<64x256xf32, #tpu.memory_space<hbm>>
    %dma_start3A_92 = arith.constant 0 : i32
    %dma_start3A_93 = tpu.memref_slice %arg4[%mul3A_89, %dma_start3A_92] : memref<131072x256xf32, #tpu.memory_space<hbm>> -> memref<64x256xf32, #tpu.memory_space<hbm>>
    tpu.enqueue_dma source(%arg9 : memref<64x256xf32, #tpu.memory_space<vmem>>) target(%dma_start3A_93 : memref<64x256xf32, #tpu.memory_space<hbm>>) target_semaphore(%arg17 : memref<!tpu.dma_semaphore, #tpu.memory_space<semaphore_mem>>)
    %dma_wait3A_94 = arith.constant 0 : i32
    %dma_wait3A_95 = arith.constant 0 : i32
    %dma_wait3A_96 = tpu.memref_slice %arg4[%dma_wait3A_94, %dma_wait3A_95] : memref<131072x256xf32, #tpu.memory_space<hbm>> -> memref<64x256xf32, #tpu.memory_space<hbm>>
    %dma_wait3A_97 = arith.constant 0 : i32
    %dma_wait3A_98 = arith.constant 0 : i32
    %dma_wait3A_99 = tpu.memref_slice %arg4[%dma_wait3A_97, %dma_wait3A_98] : memref<131072x256xf32, #tpu.memory_space<hbm>> -> memref<64x256xf32, #tpu.memory_space<hbm>>
    tpu.wait_dma2 semaphore(%arg14 : memref<!tpu.dma_semaphore, #tpu.memory_space<semaphore_mem>>) src(%arg6 : memref<64x256xf32, #tpu.memory_space<vmem>>) dst(%dma_wait3A_99 : memref<64x256xf32, #tpu.memory_space<hbm>>)
    %dma_wait3A_100 = arith.constant 0 : i32
    %dma_wait3A_101 = arith.constant 0 : i32
    %dma_wait3A_102 = tpu.memref_slice %arg4[%dma_wait3A_100, %dma_wait3A_101] : memref<131072x256xf32, #tpu.memory_space<hbm>> -> memref<64x256xf32, #tpu.memory_space<hbm>>
    %dma_wait3A_103 = arith.constant 0 : i32
    %dma_wait3A_104 = arith.constant 0 : i32
    %dma_wait3A_105 = tpu.memref_slice %arg4[%dma_wait3A_103, %dma_wait3A_104] : memref<131072x256xf32, #tpu.memory_space<hbm>> -> memref<64x256xf32, #tpu.memory_space<hbm>>
    tpu.wait_dma2 semaphore(%arg15 : memref<!tpu.dma_semaphore, #tpu.memory_space<semaphore_mem>>) src(%arg7 : memref<64x256xf32, #tpu.memory_space<vmem>>) dst(%dma_wait3A_105 : memref<64x256xf32, #tpu.memory_space<hbm>>)
    %dma_wait3A_106 = arith.constant 0 : i32
    %dma_wait3A_107 = arith.constant 0 : i32
    %dma_wait3A_108 = tpu.memref_slice %arg4[%dma_wait3A_106, %dma_wait3A_107] : memref<131072x256xf32, #tpu.memory_space<hbm>> -> memref<64x256xf32, #tpu.memory_space<hbm>>
    %dma_wait3A_109 = arith.constant 0 : i32
    %dma_wait3A_110 = arith.constant 0 : i32
    %dma_wait3A_111 = tpu.memref_slice %arg4[%dma_wait3A_109, %dma_wait3A_110] : memref<131072x256xf32, #tpu.memory_space<hbm>> -> memref<64x256xf32, #tpu.memory_space<hbm>>
    tpu.wait_dma2 semaphore(%arg16 : memref<!tpu.dma_semaphore, #tpu.memory_space<semaphore_mem>>) src(%arg8 : memref<64x256xf32, #tpu.memory_space<vmem>>) dst(%dma_wait3A_111 : memref<64x256xf32, #tpu.memory_space<hbm>>)
    %dma_wait3A_112 = arith.constant 0 : i32
    %dma_wait3A_113 = arith.constant 0 : i32
    %dma_wait3A_114 = tpu.memref_slice %arg4[%dma_wait3A_112, %dma_wait3A_113] : memref<131072x256xf32, #tpu.memory_space<hbm>> -> memref<64x256xf32, #tpu.memory_space<hbm>>
    %dma_wait3A_115 = arith.constant 0 : i32
    %dma_wait3A_116 = arith.constant 0 : i32
    %dma_wait3A_117 = tpu.memref_slice %arg4[%dma_wait3A_115, %dma_wait3A_116] : memref<131072x256xf32, #tpu.memory_space<hbm>> -> memref<64x256xf32, #tpu.memory_space<hbm>>
    tpu.wait_dma2 semaphore(%arg17 : memref<!tpu.dma_semaphore, #tpu.memory_space<semaphore_mem>>) src(%arg9 : memref<64x256xf32, #tpu.memory_space<vmem>>) dst(%dma_wait3A_117 : memref<64x256xf32, #tpu.memory_space<hbm>>)
    return
  }
}

module attributes {stable_mosaic.version = 14 : i64} {
  func.func @_vq_block(%arg0: i32, %arg1: memref<1x512x1xi32, #tpu.memory_space<vmem>>, %arg2: memref<512x256xf32, #tpu.memory_space<vmem>>, %arg3: memref<640x256xf32, #tpu.memory_space<vmem>>, %arg4: memref<512x1xi32, #tpu.memory_space<vmem>>, %arg5: memref<1x1xf32, #tpu.memory_space<vmem>>) attributes {dimension_semantics = [#tpu.dimension_semantics<arbitrary>], iteration_bounds = array<i64: 256>, scalar_prefetch = 0 : i64, scratch_operands = 0 : i64, tpu.core_type = #tpu.core_type<tc>, window_params = [{transform_indices = @transform_0, window_bounds = array<i64: 1, 512, 1>}, {transform_indices = @transform_1, window_bounds = array<i64: 512, 256>}, {pipeline_mode = #tpu.pipeline_mode<synchronous>, transform_indices = @transform_2, window_bounds = array<i64: 640, 256>}, {transform_indices = @transform_3, window_bounds = array<i64: 512, 1>}, {pipeline_mode = #tpu.pipeline_mode<synchronous>, transform_indices = @transform_4, window_bounds = array<i64: 1, 1>}]} {
    %get3A = arith.constant 0 : index
    %get3A_0 = arith.constant 0 : index
    %get3A_1 = vector.load %arg2[%get3A, %get3A_0] : memref<512x256xf32, #tpu.memory_space<vmem>>, vector<512x256xf32>
    %get3A_2 = arith.constant 0 : index
    %get3A_3 = arith.constant 0 : index
    %get3A_4 = vector.load %arg3[%get3A_2, %get3A_3] : memref<640x256xf32, #tpu.memory_space<vmem>>, vector<640x256xf32>
    %get3A_5 = arith.constant 0 : index
    %get3A_6 = arith.constant 0 : index
    %get3A_7 = arith.constant 0 : index
    %get3A_8 = vector.load %arg1[%get3A_5, %get3A_6, %get3A_7] : memref<1x512x1xi32, #tpu.memory_space<vmem>>, vector<1x512x1xi32>
    %get3A_9 = vector.shape_cast %get3A_8 : vector<1x512x1xi32> to vector<512x1xi32>
    %transpose3A = tpu.transpose %get3A_4, [1, 0] : vector<640x256xf32> -> vector<256x640xf32>
    %dot_general3A = arith.constant dense<0.000000e+00> : vector<512x640xf32>
    %dot_general3A_10 = tpu.matmul %get3A_1, %transpose3A, %dot_general3A {dimension_numbers = #tpu.dot_dimension_numbers<[1], [0], [0], [1], [0, 0, 1, 1], [], []>, transpose_lhs_hint = false} : vector<512x256xf32>, vector<256x640xf32>, vector<512x640xf32> -> vector<512x640xf32>
    %mul3A = arith.mulf %get3A_4, %get3A_4 : vector<640x256xf32>
    %reduce_sum3A = arith.constant dense<0.000000e+00> : vector<640xf32>
    %reduce_sum3A_11 = vector.multi_reduction <add>, %mul3A, %reduce_sum3A [1] : vector<640x256xf32> to vector<640xf32>
    %mul3A_12 = arith.mulf %get3A_1, %get3A_1 : vector<512x256xf32>
    %reduce_sum3A_13 = arith.constant dense<0.000000e+00> : vector<512xf32>
    %reduce_sum3A_14 = vector.multi_reduction <add>, %mul3A_12, %reduce_sum3A_13 [1] : vector<512x256xf32> to vector<512xf32>
    %broadcast_in_dim3A = vector.shape_cast %reduce_sum3A_14 : vector<512xf32> to vector<512x1xf32>
    %iota3A = tpu.iota {dimensions = array<i32: 1>} : vector<1x640xi32>
    %ge3A = arith.constant 129 : i32
    %ge3A_15 = vector.broadcast %ge3A : i32 to vector<1x640xi32>
    %ge3A_16 = arith.cmpi sge, %iota3A, %ge3A_15 : vector<1x640xi32>
    %convert_element_type3A = arith.extui %ge3A_16 : vector<1x640xi1> to vector<1x640xi32>
    %ge3A_17 = arith.constant 257 : i32
    %ge3A_18 = vector.broadcast %ge3A_17 : i32 to vector<1x640xi32>
    %ge3A_19 = arith.cmpi sge, %iota3A, %ge3A_18 : vector<1x640xi32>
    %convert_element_type3A_20 = arith.extui %ge3A_19 : vector<1x640xi1> to vector<1x640xi32>
    %add3A = arith.addi %convert_element_type3A, %convert_element_type3A_20 : vector<1x640xi32>
    %ge3A_21 = arith.constant 385 : i32
    %ge3A_22 = vector.broadcast %ge3A_21 : i32 to vector<1x640xi32>
    %ge3A_23 = arith.cmpi sge, %iota3A, %ge3A_22 : vector<1x640xi32>
    %convert_element_type3A_24 = arith.extui %ge3A_23 : vector<1x640xi1> to vector<1x640xi32>
    %add3A_25 = arith.addi %add3A, %convert_element_type3A_24 : vector<1x640xi32>
    %ge3A_26 = arith.constant 513 : i32
    %ge3A_27 = vector.broadcast %ge3A_26 : i32 to vector<1x640xi32>
    %ge3A_28 = arith.cmpi sge, %iota3A, %ge3A_27 : vector<1x640xi32>
    %convert_element_type3A_29 = arith.extui %ge3A_28 : vector<1x640xi1> to vector<1x640xi32>
    %add3A_30 = arith.addi %add3A_25, %convert_element_type3A_29 : vector<1x640xi32>
    %ge3A_31 = arith.constant 577 : i32
    %ge3A_32 = vector.broadcast %ge3A_31 : i32 to vector<1x640xi32>
    %ge3A_33 = arith.cmpi sge, %iota3A, %ge3A_32 : vector<1x640xi32>
    %convert_element_type3A_34 = arith.extui %ge3A_33 : vector<1x640xi1> to vector<1x640xi32>
    %add3A_35 = arith.addi %add3A_30, %convert_element_type3A_34 : vector<1x640xi32>
    %eq3A = arith.constant 128 : i32
    %eq3A_36 = vector.broadcast %eq3A : i32 to vector<1x640xi32>
    %eq3A_37 = arith.cmpi eq, %iota3A, %eq3A_36 : vector<1x640xi32>
    %eq3A_38 = arith.constant 256 : i32
    %eq3A_39 = vector.broadcast %eq3A_38 : i32 to vector<1x640xi32>
    %eq3A_40 = arith.cmpi eq, %iota3A, %eq3A_39 : vector<1x640xi32>
    %or3A = arith.ori %eq3A_37, %eq3A_40 : vector<1x640xi1>
    %eq3A_41 = arith.constant 384 : i32
    %eq3A_42 = vector.broadcast %eq3A_41 : i32 to vector<1x640xi32>
    %eq3A_43 = arith.cmpi eq, %iota3A, %eq3A_42 : vector<1x640xi32>
    %or3A_44 = arith.ori %or3A, %eq3A_43 : vector<1x640xi1>
    %eq3A_45 = arith.constant 512 : i32
    %eq3A_46 = vector.broadcast %eq3A_45 : i32 to vector<1x640xi32>
    %eq3A_47 = arith.cmpi eq, %iota3A, %eq3A_46 : vector<1x640xi32>
    %or3A_48 = arith.ori %or3A_44, %eq3A_47 : vector<1x640xi1>
    %eq3A_49 = arith.constant 576 : i32
    %eq3A_50 = vector.broadcast %eq3A_49 : i32 to vector<1x640xi32>
    %eq3A_51 = arith.cmpi eq, %iota3A, %eq3A_50 : vector<1x640xi32>
    %or3A_52 = arith.ori %or3A_48, %eq3A_51 : vector<1x640xi1>
    %jit3A = arith.constant -1 : i32
    %broadcast_in_dim3A_53 = vector.broadcast %jit3A : i32 to vector<1x640xi32>
    %select_n3A = arith.select %or3A_52, %broadcast_in_dim3A_53, %add3A_35 : vector<1x640xi1>, vector<1x640xi32>
    %eq3A_54 = arith.constant 5 : i32
    %eq3A_55 = vector.broadcast %eq3A_54 : i32 to vector<512x1xi32>
    %eq3A_56 = arith.cmpi eq, %get3A_9, %eq3A_55 : vector<512x1xi32>
    %eq3A_57 = arith.constant 6 : i32
    %eq3A_58 = vector.broadcast %eq3A_57 : i32 to vector<512x1xi32>
    %eq3A_59 = arith.cmpi eq, %get3A_9, %eq3A_58 : vector<512x1xi32>
    %eq3A_60 = arith.constant 7 : i32
    %eq3A_61 = vector.broadcast %eq3A_60 : i32 to vector<512x1xi32>
    %eq3A_62 = arith.cmpi eq, %get3A_9, %eq3A_61 : vector<512x1xi32>
    %eq3A_63 = arith.constant 119 : i32
    %eq3A_64 = vector.broadcast %eq3A_63 : i32 to vector<512x1xi32>
    %eq3A_65 = arith.cmpi eq, %get3A_9, %eq3A_64 : vector<512x1xi32>
    %eq3A_66 = arith.constant 120 : i32
    %eq3A_67 = vector.broadcast %eq3A_66 : i32 to vector<512x1xi32>
    %eq3A_68 = arith.cmpi eq, %get3A_9, %eq3A_67 : vector<512x1xi32>
    %jit3A_69 = arith.constant 5 : i32
    %jit3A_70 = arith.constant 3 : i32
    %broadcast_in_dim3A_71 = vector.broadcast %jit3A_69 : i32 to vector<512x1xi32>
    %broadcast_in_dim3A_72 = vector.broadcast %jit3A_70 : i32 to vector<512x1xi32>
    %select_n3A_73 = arith.select %eq3A_68, %broadcast_in_dim3A_71, %broadcast_in_dim3A_72 : vector<512x1xi1>, vector<512x1xi32>
    %jit3A_74 = arith.constant 4 : i32
    %broadcast_in_dim3A_75 = vector.broadcast %jit3A_74 : i32 to vector<512x1xi32>
    %select_n3A_76 = arith.select %eq3A_65, %broadcast_in_dim3A_75, %select_n3A_73 : vector<512x1xi1>, vector<512x1xi32>
    %jit3A_77 = arith.constant 2 : i32
    %broadcast_in_dim3A_78 = vector.broadcast %jit3A_77 : i32 to vector<512x1xi32>
    %select_n3A_79 = arith.select %eq3A_62, %broadcast_in_dim3A_78, %select_n3A_76 : vector<512x1xi1>, vector<512x1xi32>
    %jit3A_80 = arith.constant 1 : i32
    %broadcast_in_dim3A_81 = vector.broadcast %jit3A_80 : i32 to vector<512x1xi32>
    %select_n3A_82 = arith.select %eq3A_59, %broadcast_in_dim3A_81, %select_n3A_79 : vector<512x1xi1>, vector<512x1xi32>
    %jit3A_83 = arith.constant 0 : i32
    %broadcast_in_dim3A_84 = vector.broadcast %jit3A_83 : i32 to vector<512x1xi32>
    %select_n3A_85 = arith.select %eq3A_56, %broadcast_in_dim3A_84, %select_n3A_82 : vector<512x1xi1>, vector<512x1xi32>
    %mul3A_86 = arith.constant -2.000000e+00 : f32
    %mul3A_87 = vector.broadcast %mul3A_86 : f32 to vector<512x640xf32>
    %mul3A_88 = arith.mulf %mul3A_87, %dot_general3A_10 : vector<512x640xf32>
    %broadcast_in_dim3A_89 = vector.shape_cast %reduce_sum3A_11 : vector<640xf32> to vector<1x640xf32>
    %add3A_90 = vector.broadcast %broadcast_in_dim3A_89 : vector<1x640xf32> to vector<512x640xf32>
    %add3A_91 = arith.addf %mul3A_88, %add3A_90 : vector<512x640xf32>
    %ne3A = vector.broadcast %select_n3A : vector<1x640xi32> to vector<512x640xi32>
    %ne3A_92 = vector.broadcast %select_n3A_85 : vector<512x1xi32> to vector<512x640xi32>
    %ne3A_93 = arith.cmpi ne, %ne3A, %ne3A_92 : vector<512x640xi32>
    %jit3A_94 = arith.constant 0x7F800000 : f32
    %broadcast_in_dim3A_95 = vector.broadcast %jit3A_94 : f32 to vector<512x640xf32>
    %select_n3A_96 = arith.select %ne3A_93, %broadcast_in_dim3A_95, %add3A_91 : vector<512x640xi1>, vector<512x640xf32>
    %argmin3A = tpu.reduce_index %select_n3A_96 {axis = 1 : i32, kind = #tpu.reduction_kind<arg_min>} : vector<512x640xf32> -> vector<512xi32>
    %broadcast_in_dim3A_97 = vector.shape_cast %argmin3A : vector<512xi32> to vector<512x1xi32>
    %reduce_min3A = arith.constant dense<0x7F800000> : vector<512xf32>
    %reduce_min3A_98 = vector.multi_reduction <minimumf>, %select_n3A_96, %reduce_min3A [1] : vector<512x640xf32> to vector<512xf32>
    %swap3A = arith.constant 0 : index
    %swap3A_99 = arith.constant 0 : index
    %swap3A_100 = vector.load %arg4[%swap3A, %swap3A_99] : memref<512x1xi32, #tpu.memory_space<vmem>>, vector<512x1xi32>
    tpu.vector_store %arg4[%swap3A, %swap3A_99], %broadcast_in_dim3A_97 {strides = array<i32>} : memref<512x1xi32, #tpu.memory_space<vmem>>, vector<512x1xi32>,
    %eq3A_101 = arith.constant 0 : i32
    %eq3A_102 = arith.cmpi eq, %arg0, %eq3A_101 : i32
    %convert_element_type3A_103 = arith.extui %eq3A_102 : i1 to i32
    %cond3A = arith.constant 0 : i32
    %cond3A_104 = arith.cmpi ne, %convert_element_type3A_103, %cond3A : i32
    scf.if %cond3A_104 {
      %broadcast_in_dim3A_119 = arith.constant 0.000000e+00 : f32
      %broadcast_in_dim3A_120 = vector.broadcast %broadcast_in_dim3A_119 : f32 to vector<1x1xf32>
      %swap3A_121 = arith.constant 0 : index
      %swap3A_122 = arith.constant 0 : index
      %swap3A_123 = vector.load %arg5[%swap3A_121, %swap3A_122] : memref<1x1xf32, #tpu.memory_space<vmem>>, vector<1x1xf32>
      tpu.vector_store %arg5[%swap3A_121, %swap3A_122], %broadcast_in_dim3A_120 {strides = array<i32>} : memref<1x1xf32, #tpu.memory_space<vmem>>, vector<1x1xf32>,
    } else {
    }
    %get3A_105 = arith.constant 0 : index
    %get3A_106 = arith.constant 0 : index
    %get3A_107 = vector.load %arg5[%get3A_105, %get3A_106] : memref<1x1xf32, #tpu.memory_space<vmem>>, vector<1x1xf32>
    %broadcast_in_dim3A_108 = vector.shape_cast %reduce_min3A_98 : vector<512xf32> to vector<512x1xf32>
    %add3A_109 = arith.addf %broadcast_in_dim3A, %broadcast_in_dim3A_108 : vector<512x1xf32>
    %reduce_sum3A_110 = vector.shape_cast %add3A_109 : vector<512x1xf32> to vector<1x512x1xf32>
    %reduce_sum3A_111 = arith.constant dense<0.000000e+00> : vector<1xf32>
    %reduce_sum3A_112 = vector.multi_reduction <add>, %reduce_sum3A_110, %reduce_sum3A_111 [1, 2] : vector<1x512x1xf32> to vector<1xf32>
    %reduce_sum3A_113 = vector.shape_cast %reduce_sum3A_112 : vector<1xf32> to vector<1x1x1xf32>
    %reduce_sum3A_114 = vector.extract %reduce_sum3A_113[0, 0, 0] : f32 from vector<1x1x1xf32>
    %reshape3A = vector.broadcast %reduce_sum3A_114 : f32 to vector<1x1xf32>
    %add3A_115 = arith.addf %get3A_107, %reshape3A : vector<1x1xf32>
    %swap3A_116 = arith.constant 0 : index
    %swap3A_117 = arith.constant 0 : index
    %swap3A_118 = vector.load %arg5[%swap3A_116, %swap3A_117] : memref<1x1xf32, #tpu.memory_space<vmem>>, vector<1x1xf32>
    tpu.vector_store %arg5[%swap3A_116, %swap3A_117], %add3A_115 {strides = array<i32>} : memref<1x1xf32, #tpu.memory_space<vmem>>, vector<1x1xf32>,
    return
  }
  func.func @transform_0(%arg0: i32) -> (i32, i32, i32) {
    %c0_i32 = arith.constant 0 : i32
    %c0_i32_0 = arith.constant 0 : i32
    %c0_i32_1 = arith.constant 0 : i32
    return %arg0, %c0_i32, %c0_i32_0 : i32, i32, i32
  }
  func.func @transform_1(%arg0: i32) -> (i32, i32) {
    %c0_i32 = arith.constant 0 : i32
    %c0_i32_0 = arith.constant 0 : i32
    return %arg0, %c0_i32 : i32, i32
  }
  func.func @transform_2(%arg0: i32) -> (i32, i32) {
    %c0_i32 = arith.constant 0 : i32
    %c0_i32_0 = arith.constant 0 : i32
    %c0_i32_1 = arith.constant 0 : i32
    return %c0_i32, %c0_i32_0 : i32, i32
  }
  func.func @transform_3(%arg0: i32) -> (i32, i32) {
    %c0_i32 = arith.constant 0 : i32
    %c0_i32_0 = arith.constant 0 : i32
    return %arg0, %c0_i32 : i32, i32
  }
  func.func @transform_4(%arg0: i32) -> (i32, i32) {
    %c0_i32 = arith.constant 0 : i32
    %c0_i32_0 = arith.constant 0 : i32
    %c0_i32_1 = arith.constant 0 : i32
    return %c0_i32, %c0_i32_0 : i32, i32
  }
}

</mosaic_0001>

<sc_bundles>
// kernel: _vq.4.cloned.1.call-start
scs
__scs_entry_jumppad:
0x0: {  	(pc) =	sbr.rel $0x88, $3  }
0x1: {  	(tag) =	ssettag $0x0;
	lr =	simm.s32 $0x1  }
0x2: {  	[smem:$0x3F9E] =	sst lr;
	_ =	strace $0xD0000000  }
0x3: {  	_ = 	snop  }
0x4: {  	_ = 	snop  }
0x5: {  	_ = 	snop  }
0x6: {  	_ = 	snop  }
0x7: {  	_ = 	snop  }
__scs_overlays_trampoline_lowered:
0x8: {  	[smem:$0x3FAD] =	sst s0  }
0x9: {  	[smem:$0x3FAE] =	sst s1  }
0xa: {  	[smem:$0x3FAF] =	sst s2  }
0xb: {  	[smem:$0x3FB0] =	sst s3  }
0xc: {  	[smem:$0x3FB1] =	sst s4  }
0xd: {  	[smem:$0x3FB2] =	sst s5  }
0xe: {  	[smem:$0x3FB3] =	sst s6  }
0xf: {  	[smem:$0x3FB4] =	sst s7  }
0x10: {  	[smem:$0x3FB5] =	sst s8  }
0x11: {  	[smem:$0x3FB6] =	sst s9;
	s0 =	simm.s32 @!p0 $0x0  }
0x12: {  	s1 =	sld [smem:$0x3F9C];
	s0 =	simm.s32 @p0 $0x1  }
0x13: {  	[smem:$0x3FB7] =	sst s0;
	s0 =	simm.s32 @!p1 $0x0  }
0x14: {  	s2 =	sld [smem:$0x3F9B];
	s0 =	simm.s32 @p1 $0x1  }
0x15: {  	[smem:$0x3FB8] =	sst s0;
	s0 =	simm.s32 @!p2 $0x0  }
0x16: {  	s3 =	sld [smem:$0x3FDB];
	s0 =	simm.s32 @p2 $0x1  }
0x17: {  	s4 =	simm.s32 $0x1BF5;
	[smem:$0x3FBA] =	sst s0  }
0x18: {  	s0 =	sld [smem:$0x3F9D];
	_ =	swait.ge [sflag:s4], $0x0  }
0x19: {  	s7 =	sld [smem:$0x3F9E]  }
0x1a: {  	s8 =	sadd.s32 $0xFFFFE003, lr  }
0x1b: {  	s9 =	sadd.s32 $0xFFFFFEF7, lr;
	s5 =	simm.s32 $0xFFFFFFFF;
	p2 =	slt.u32 s8, $0xFFFFF086  }
0x1c: {  	p1 =	slt.u32 s9, $0xF7A;
	s5 =	simm.s32 @!p2 $0x0  }
0x1d: {  	s5 =	simm.s32 @p1 $0x1;
	p0 =	seq.s32 s7, s2  }
0x1e: {  	s7 =	smul.u32 @!p0 $0xF7A, s2;
	p2 =	seq.s32 @!p0 s5, $0x0  }
0x1f: {  	s9 =	smul.u32 $0xF7A, s1;
	s8 =	simm.s32 @!p0 $0x1BF5;
	p2 =	por !p2, p0  }
0x20: {  	[sflag:s8] =	ssyncset.s32 @!p0 $0xFFFFF086;
	s6 =	sadd.s32 @!p0 s3, s7;
	s7 =	simm.s32 @!p0 $0x108  }
0x21: {  	s3 =	sadd.s32 s3, s9;
	s6 =	sadd.s32 @!p0 $0x88, s6;
	s7 =	simm.s32 @p2 $0x1082  }
0x22: {  	[simem:s7], [sflag:s8] =	dma.local @!p0 [hbm:s6], $0xF7A  }
0x23: {  	s9 =	sor.u32 $0xD0000000, s2;
	s6 =	simm.s32 $0x108;
	_ =	swait.ge @!p0 [sflag:s8], $0x0  }
0x24: {  	s3 =	sadd.s32 $0x88, s3;
	s6 =	simm.s32 @!p1 $0x1082;
	[sflag:s4] =	ssyncset.s32 $0xFFFFF086  }
0x25: {  	[simem:s6], [sflag:s4] =	dma.local [hbm:s3], $0xF7A  }
0x26: {  	[smem:$0x3F9E] =	sst s1;
	(tag) =	ssettag s2;
	_ =	strace s9  }
0x27: {  	s1 =	sld [smem:$0x3FAE]  }
0x28: {  	s2 =	sld [smem:$0x3FAF]  }
0x29: {  	s4 =	sld [smem:$0x3FB1]  }
0x2a: {  	p0 =	seq.s32 s5, $0x0;
	s5 =	sld [smem:$0x3FB2]  }
0x2b: {  	s6 =	sld [smem:$0x3FB3]  }
0x2c: {  	s7 =	sld [smem:$0x3FB4]  }
0x2d: {  	s3 =	simm.s32 $0x108;
	s8 =	sld [smem:$0x3FB5]  }
0x2e: {  	s3 =	simm.s32 @!p0 $0x1082;
	s9 =	sld [smem:$0x3FB6]  }
0x2f: {  	lr =	sadd.s32 s0, s3;
	s0 =	sld [smem:$0x3FAD]  }
0x30: {  	s3 =	sld [smem:$0x3FB0]  }
0x31: {  	[smem:$0x3FB9] =	sst s10  }
0x32: {  	s10 =	sld [smem:$0x3FB7];
	_ =	sdelay $0x3  }
0x33: {  	p0 =	seq.s32 s10, $0x1;
	s10 =	sld [smem:$0x3FB9];
	_ =	sdelay $0x3  }
0x34: {  	[smem:$0x3FB9] =	sst s10  }
0x35: {  	s10 =	sld [smem:$0x3FB8];
	_ =	sdelay $0x3  }
0x36: {  	p1 =	seq.s32 s10, $0x1;
	s10 =	sld [smem:$0x3FB9];
	_ =	sdelay $0x3  }
0x37: {  	[smem:$0x3FB9] =	sst s10  }
0x38: {  	s10 =	sld [smem:$0x3FBA]  }
0x39: {  	_ = 	snop;
	(pc) =	sbr.ind lr, $3  }
0x3a: {  	_ = 	snop  }
0x3b: {  	_ = 	snop  }
0x3c: {  	p2 =	seq.s32 s10, $0x1;
	s10 =	sld [smem:$0x3FB9]  }
0x3d: {  	_ =	shalt  }
0x3e: {  	_ =	shalt  }
0x3f: {  	_ =	shalt  }
0x40: {  	_ =	shalt  }
0x41: {  	_ =	shalt  }
0x42: {  	_ =	shalt  }
0x43: {  	_ =	shalt  }
0x44: {  	_ =	shalt  }
0x45: {  	_ =	shalt  }
0x46: {  	_ =	shalt  }
0x47: {  	_ =	shalt  }
0x48: {  	_ =	shalt  }
0x49: {  	_ =	shalt  }
0x4a: {  	_ =	shalt  }
0x4b: {  	_ =	shalt  }
0x4c: {  	_ =	shalt  }
0x4d: {  	_ =	shalt  }
0x4e: {  	_ =	shalt  }
0x4f: {  	_ =	shalt  }
0x50: {  	_ =	shalt  }
0x51: {  	_ =	shalt  }
0x52: {  	_ =	shalt  }
0x53: {  	_ =	shalt  }
0x54: {  	_ =	shalt  }
0x55: {  	_ =	shalt  }
0x56: {  	_ =	shalt  }
0x57: {  	_ =	shalt  }
0x58: {  	_ =	shalt  }
0x59: {  	_ =	shalt  }
0x5a: {  	_ =	shalt  }
0x5b: {  	_ =	shalt  }
0x5c: {  	_ =	shalt  }
0x5d: {  	_ =	shalt  }
0x5e: {  	_ =	shalt  }
0x5f: {  	_ =	shalt  }
0x60: {  	_ =	shalt  }
0x61: {  	_ =	shalt  }
0x62: {  	_ =	shalt  }
0x63: {  	_ =	shalt  }
0x64: {  	_ =	shalt  }
0x65: {  	_ =	shalt  }
0x66: {  	_ =	shalt  }
0x67: {  	_ =	shalt  }
0x68: {  	_ =	shalt  }
0x69: {  	_ =	shalt  }
0x6a: {  	_ =	shalt  }
0x6b: {  	_ =	shalt  }
0x6c: {  	_ =	shalt  }
0x6d: {  	_ =	shalt  }
0x6e: {  	_ =	shalt  }
0x6f: {  	_ =	shalt  }
0x70: {  	_ =	shalt  }
0x71: {  	_ =	shalt  }
0x72: {  	_ =	shalt  }
0x73: {  	_ =	shalt  }
0x74: {  	_ =	shalt  }
0x75: {  	_ =	shalt  }
0x76: {  	_ =	shalt  }
0x77: {  	_ =	shalt  }
0x78: {  	_ =	shalt  }
0x79: {  	_ =	shalt  }
0x7a: {  	_ =	shalt  }
0x7b: {  	_ =	shalt  }
0x7c: {  	_ =	shalt  }
0x7d: {  	_ =	shalt  }
0x7e: {  	_ =	shalt  }
0x7f: {  	_ =	shalt  }
0x80: {  	_ =	shalt  }
0x81: {  	_ =	shalt  }
0x82: {  	_ =	shalt  }
0x83: {  	_ =	shalt  }
0x84: {  	_ =	shalt  }
0x85: {  	_ =	shalt  }
0x86: {  	_ =	shalt  }
0x87: {  	_ =	shalt  }
.Lfunc_end0:
.L_simem_size_0:
called_computation_lowered:
.L_overlay_start_0:
0x88: {  	s2 =	sld [smem:$0x3FD9]  }
0x89: {  	s3 =	sld [smem:$0x3FFE];
	_ =	sdelay $0x1  }
0x8a: {  	s1 =	srdreg.scid  }
0x8b: {  	s0 =	sand.u32 $0x1, s1  }
0x8c: {  	s14 =	sshll.u32 s0, $0xA;
	s2 =	sadd.s32 s3, s2  }
0x8d: {  	s2 =	sadd.s32 s2, s14  }
0x8e: {  	[smem:$0x3FC5] =	sst s2  }
0x8f: {  	_ = 	snop  }
0x90: {  	s2 =	sld [smem:$0x3FD0];
	_ =	sdelay $0x2  }
0x91: {  	s4 =	simm.s32 $0xA;
	s5 =	simm.s32 $0x10;
	s15 =	sld [smem:$0x3FC7]  }
0x92: {  	[smem:s5], [sflag:s4] =	dma.local [hbm:s2], $0x1  }
0x93: {  	_ =	swait.eq [sflag:s4], $0x1  }
0x94: {  	[sflag:s4] =	ssyncset.done $0x0  }
0x95: {  	[sflag:s4] =	ssyncadd.s32 $0xFFFFFFFF  }
0x96: {  	s16 =	sld [smem:$0x10];
	(tm) =	ssettm $0x1  }
0x97: {  	s17 =	sld [smem:$0x3FFB];
	_ =	sdelay $0x3  }
0x98: {  	_ =	strace s17  }
0x99: {  	s4 =	sld [smem:$0x3FFC];
	_ =	sdelay $0x3  }
0x9a: {  	_ =	strace s4  }
0x9b: {  	s4 =	sld [smem:$0x3FFD];
	_ =	sdelay $0x3  }
0x9c: {  	_ =	strace s4  }
0x9d: {  	_ =	strace $0x8FFFFFFF  }
0x9e: {  	s18 =	sld [smem:$0x3FDB];
	_ =	sdelay $0x1  }
0x9f: {  	s19 =	simm.s32 $_scs_section_size  }
0xa0: {  	s6 =	simm.s32 $_size__tile_overlayer_lowered;
	s7 =	simm.s32 $_tile_overlayer_lowered  }
0xa1: {  	s22 =	simm.s32 $0x1BFF;
	s21 =	sshll.u32 s7, $0x1;
	s4 =	sadd.s32 s19, s18  }
0xa2: {  	s8 =	simm.s32 $0x0;
	s20 =	sshll.u32 s6, $0x1;
	s6 =	sadd.s32 s21, s4  }
0xa3: {  	[timem:s8], [sflag:s22] =	dma.local [hbm:s6], s20  }
0xa4: {  	_ =	swait.ge [sflag:s22], s20  }
0xa5: {  	s5 =	ssub.s32 $0x0, s20;
	[sflag:s22] =	ssyncset.done $0x0  }
0xa6: {  	[sflag:s22] =	ssyncadd.s32 s5;
	_ =	sdelay $0x1  }
0xa7: {  	s23 =	simm.s32 $0x1B8B  }
0xa8: {  	_ =	swait.ge [sflag:s23], $0x1  }
0xa9: {  	[sflag:s23] =	ssyncset.done $0x0  }
0xaa: {  	s25 =	simm.s32 $0x1B8E;
	s24 =	sld [smem:$0x3FFE];
	[sflag:s23] =	ssyncadd.s32 $0xFFFFFFFF  }
0xab: {  	s26 =	simm.s32 $execute0_lowered;
	[smem:$0x3FD2] =	sst s25  }
0xac: {  	s6 =	sshll.u32 s26, $0x1;
	_ =	strace $0x80000046;
	[dreg:$0x1] =	wrdreg $0xFFFFFFFF  }
0xad: {  	s28 =	simm.s32 $_size_execute0_lowered;
	s4 =	sadd.s32 s4, s6;
	[dreg:$0x0] =	wrdreg $0x0  }
0xae: {  	s6 =	sshll.u32 s28, $0x1;
	[dreg:$0x2] =	wrdreg s4  }
0xaf: {  	[dreg:$0x3] =	wrdreg s6  }
0xb0: {  	[dreg:$0x4] =	wrdreg $0xC0  }
0xb1: {  	_ =	task [dreg:s8], $0x5FFFF  }
0xb2: {  	[dreg:$0x1] =	wrdreg $0xFFFFFFFF  }
0xb3: {  	[dreg:$0x0] =	wrdreg $0x60  }
0xb4: {  	[dreg:$0x2] =	wrdreg s15  }
0xb5: {  	[dreg:$0x3] =	wrdreg s24  }
0xb6: {  	[dreg:$0x4] =	wrdreg s16  }
0xb7: {  	[dreg:$0x5] =	wrdreg $0x9  }
0xb8: {  	_ =	task.clear_ibuf [dreg:s8], $0x6FFFF;
	_ =	strace $0x90000046  }
0xb9: {  	s29 =	simm.s32 $0x9;
	_ =	strace $0x80000048  }
0xba: {  	_ =	swait.ge [sflag:s29], $0x1  }
0xbb: {  	[sflag:s29] =	ssyncadd.s32 $0xFFFFFFFF  }
0xbc: {  	_ =	strace $0x90000048  }
0xbd: {  	_ =	sfence  }
0xbe: {  	s30 =	sld [smem:$0x0];
	_ =	sdelay $0x2  }
0xbf: {  	s31 =	sshll.u32 s1, $0xD;
	s1 =	sshrl.u32 s1, $0x2  }
0xc0: {  	s3 =	sand.u32 $0x4000, s31;
	s1 =	sadd.s32 s1, s30  }
0xc1: {  	s0 =	sor.u32 s3, s0;
	s1 =	sshll.u32 s1, $0x11  }
0xc2: {  	s0 =	sor.u32 s1, s0  }
0xc3: {  	s0 =	sadd.s32 $0x8F2B, s0  }
0xc4: {  	[sflag:s0] =	ssyncadd.remote.s32 $0x1  }
0xc5: {  	_ =	sfence.sel $0xFFFF  }
0xc6: {  	[dreg:$0x0] =	wrdreg $0xFFFFFFFF;
	(pc) =	sbr.abs _section_cstart, $3  }
0xc7: {  	[dreg:$0x1] =	wrdreg $0xFFFFFFFF  }
0xc8: {  	_ =	task.clear_ibuf [dreg:s8], $0x2FFFF;
	_ =	strace $0x9FFFFFFF  }
0xc9: {  	(tm) =	ssettm $0x7FFFFFFF  }
tec
execute0_lowered:
.L_overlay_start_1:
0x0: {  	(tag) =	ssettag $0x1  }
0x1: {  	s1 =	rddreg [dreg:$0x0]  }
0x2: {  	s0 =	rddreg [dreg:$0x1]  }
0x3: {  	s2 =	rddreg [dreg:$0x2]  }
0x4: {  	s3 =	srdreg.scid;
	s9 =	stileid.u32;
	s19 =	simm.s32 $0x2000  }
0x5: {  	s29 =	simm.s32 $0x3000;
	s30 =	simm.s32 $0x4000;
	s28 =	simm.s32 $0x6000  }
0x6: {  	s10 =	simm.s32 $0x8800;
	s12 =	simm.s32 $0x9000;
	s13 =	simm.s32 $0x9800  }
0x7: {  	s31 =	simm.s32 $0xA000;
	s14 =	simm.s32 $0xA800;
	s11 =	simm.s32 $0xB000  }
0x8: {  	s15 =	simm.s32 $0x1;
	s16 =	simm.s32 $0x2;
	s17 =	simm.s32 $0x3  }
0x9: {  	s18 =	simm.s32 $0x4;
	s4 =	sand.u32 $0x1, s3;
	s3 =	simm.s32 $0x0  }
0xa: {  	s5 =	sshll.u32 s9, $0x7;
	s22 =	sshll.u32 s9, $0x12;
	s9 =	simm.s32 $0x8000  }
0xb: {  	s6 =	sshll.u32 s4, $0x6;
	[smem:$0x7FF] =	sst s3;
	s20 =	ssub.s32 $0x2, s4  }
0xc: {  	s4 =	sshll.u32 s4, $0x11;
	s5 =	sor.u32 s6, s5;
	s8 =	sshrl.u32 s20, $0x1  }
0xd: {  	_ =	strace $0x80000047;
	s7 =	sshll.u32 s5, $0x4;
	s6 =	ssub.s32 s20, s8  }
0xe: {  	s5 =	sshll.u32 s5, $0xB;
	s8 =	simm.s32 $0x7800;
	s20 =	simm.s32 $0x5  }
0xf: {  	s0 =	sadd.s32 s7, s0;
	s21 =	sadd.s32 s5, s2;
	s2 =	sadd.s32 s22, s2  }
0x10: {  	s26 =	smax.u32 s6, $0x1;
	s5 =	simm.s32 $0x6800;
	s7 =	simm.s32 $0x7000  }
0x11: {  	s6 =	simm.s32 $0xE000;
	s0 =	sadd.s32 $0x400, s0;
	[dreg:$0xa] =	wrdreg s26  }
0x12: {  	s22 =	simm.s32 $0x7;
	s23 =	sadd.s32 $0x1E000, s21;
	[dreg:$0x5] =	wrdreg s0  }
0x13: {  	s24 =	sadd.s32 $0x1E800, s21;
	s25 =	sadd.s32 $0x1F000, s21;
	[dreg:$0x6] =	wrdreg s23  }
0x14: {  	s2 =	sadd.s32 s4, s2;
	s26 =	simm.s32 $0x2800;
	[dreg:$0x7] =	wrdreg s24  }
0x15: {  	s4 =	simm.s32 $0x5800;
	[dreg:$0x8] =	wrdreg s25;
	s0 =	sadd.s32 $0x1F800, s21  }
0x16: {  	v2 =	vlaneseq.u32;
	[dreg:$0x4] =	wrdreg s2;
	s25 =	simm.s32 $0x3800;
	s2 =	simm.s32 $0x5000  }
0x17: {  	vm0 =	vmmov $0xffff;
	v1 =	vshrl.u32 v2, $0x3;
	s21 =	simm.s32 $0x6;
	s24 =	simm.s32 $0x0;
	[dreg:$0x9] =	wrdreg s0  }
0x18: {  	v0 =	vand.u32 $0x7, v2;
	v2 =	vor.u32 $0x8, v2;
	v1 =	vmul.u32 $0x8, v1;
	s23 =	simm.s32 $0x8;
	s0 =	simm.s32 $0x4800;
	[dreg:$0xb] =	wrdreg s24  }
.LBB2_1:
0x19: {  	s24 =	rddreg [dreg:$0x5]  }
0x1a: {  	[tilespmem:s3], [sflag:$0x9] =	stream.linear.gather [hbm4b:s24+s3], $0x2000, $0x38;
	[tilespmem:$0x12000] =	vst v63  }
0x1b: {  	s24 =	simm.s32 $0x9  }
0x1c: {  	_ =	swait.ge [sflag:s24], $0x2000  }
0x1d: {  	[sflag:s24] =	ssyncset.done $0x0  }
0x1e: {  	[sflag:s24] =	ssyncadd.s32 $0xFFFFE000  }
0x1f: {  	v3 =	vld [tilespmem:$0x0];
	_ =	sdelay $0x4  }
0x20: {  	v4 =	vshll.u32 v3, $0x1  }
0x21: {  	v3 =	vand.u32 $0x7, v3;
	v4 =	vand.u32 $0xFFFFFFF0, v4  }
0x22: {  	v3 =	vor.u32 v3, v4  }
0x23: {  	v4 =	vperm.xlane v3, v0;
	_ =	sdelay $0x1  }
0x24: {  	v3 =	vperm.xlane v3, v2;
	v4 =	vadd.s32 v1, v4;
	_ =	sdelay $0x1  }
0x25: {  	v3 =	vadd.s32 v1, v3;
	_ =	sdelay $0x2  }
0x26: {  	[tilespmem:s19], [sflag:$0x1] =	stream.indirect_vreg.gather [hbm4b:s1+s3], $0x80, v4, vm0, $0xb8;
	[tilespmem:$0x12000] =	vst v63  }
0x27: {  	_ = 	snop  }
0x28: {  	[tilespmem:s26], [sflag:$0x1] =	stream.indirect_vreg.gather [hbm4b:s1+s3], $0x80, v3, vm0, $0xb8;
	[tilespmem:$0x12000] =	vst v63  }
0x29: {  	v3 =	vld [tilespmem:$0x10];
	_ =	sdelay $0x4  }
0x2a: {  	v49 =	vshll.u32 v3, $0x1  }
0x2b: {  	v3 =	vand.u32 $0x7, v3;
	v4 =	vand.u32 $0xFFFFFFF0, v49  }
0x2c: {  	v3 =	vor.u32 v3, v4  }
0x2d: {  	v4 =	vperm.xlane v3, v0;
	_ =	sdelay $0x1  }
0x2e: {  	v3 =	vperm.xlane v3, v2;
	v4 =	vadd.s32 v1, v4;
	_ =	sdelay $0x1  }
0x2f: {  	v3 =	vadd.s32 v1, v3;
	_ =	sdelay $0x2  }
0x30: {  	[tilespmem:s29], [sflag:$0x1] =	stream.indirect_vreg.gather [hbm4b:s1+s3], $0x80, v4, vm0, $0xb8;
	[tilespmem:$0x12000] =	vst v63  }
0x31: {  	_ = 	snop  }
0x32: {  	[tilespmem:s25], [sflag:$0x1] =	stream.indirect_vreg.gather [hbm4b:s1+s3], $0x80, v3, vm0, $0xb8;
	[tilespmem:$0x12000] =	vst v63  }
0x33: {  	v3 =	vld [tilespmem:$0x20];
	_ =	sdelay $0x4  }
0x34: {  	v50 =	vshll.u32 v3, $0x1  }
0x35: {  	v3 =	vand.u32 $0x7, v3;
	v4 =	vand.u32 $0xFFFFFFF0, v50  }
0x36: {  	v3 =	vor.u32 v3, v4  }
0x37: {  	v4 =	vperm.xlane v3, v0;
	_ =	sdelay $0x1  }
0x38: {  	v3 =	vperm.xlane v3, v2;
	v4 =	vadd.s32 v1, v4;
	_ =	sdelay $0x1  }
0x39: {  	v3 =	vadd.s32 v1, v3;
	_ =	sdelay $0x2  }
0x3a: {  	[tilespmem:s30], [sflag:$0x1] =	stream.indirect_vreg.gather [hbm4b:s1+s3], $0x80, v4, vm0, $0xb8;
	[tilespmem:$0x12000] =	vst v63  }
0x3b: {  	_ = 	snop  }
0x3c: {  	[tilespmem:s0], [sflag:$0x1] =	stream.indirect_vreg.gather [hbm4b:s1+s3], $0x80, v3, vm0, $0xb8;
	[tilespmem:$0x12000] =	vst v63  }
0x3d: {  	v3 =	vld [tilespmem:$0x30];
	_ =	sdelay $0x4  }
0x3e: {  	v51 =	vshll.u32 v3, $0x1  }
0x3f: {  	v3 =	vand.u32 $0x7, v3;
	v4 =	vand.u32 $0xFFFFFFF0, v51  }
0x40: {  	v3 =	vor.u32 v3, v4  }
0x41: {  	v4 =	vperm.xlane v3, v0;
	_ =	sdelay $0x1  }
0x42: {  	v3 =	vperm.xlane v3, v2;
	v4 =	vadd.s32 v1, v4;
	_ =	sdelay $0x1  }
0x43: {  	v3 =	vadd.s32 v1, v3;
	_ =	sdelay $0x2  }
0x44: {  	[tilespmem:s2], [sflag:$0x1] =	stream.indirect_vreg.gather [hbm4b:s1+s3], $0x80, v4, vm0, $0xb8;
	[tilespmem:$0x12000] =	vst v63  }
0x45: {  	_ = 	snop  }
0x46: {  	[tilespmem:s4], [sflag:$0x1] =	stream.indirect_vreg.gather [hbm4b:s1+s3], $0x80, v3, vm0, $0xb8;
	[tilespmem:$0x12000] =	vst v63  }
0x47: {  	v3 =	vld [tilespmem:$0x80];
	_ =	sdelay $0x4  }
0x48: {  	v52 =	vshll.u32 v3, $0x1  }
0x49: {  	v3 =	vand.u32 $0x7, v3;
	v4 =	vand.u32 $0xFFFFFFF0, v52  }
0x4a: {  	v3 =	vor.u32 v3, v4  }
0x4b: {  	v4 =	vperm.xlane v3, v0;
	_ =	sdelay $0x1  }
0x4c: {  	v3 =	vperm.xlane v3, v2;
	v4 =	vadd.s32 v1, v4;
	_ =	sdelay $0x1  }
0x4d: {  	v3 =	vadd.s32 v1, v3;
	_ =	sdelay $0x2  }
0x4e: {  	[tilespmem:s28], [sflag:$0x2] =	stream.indirect_vreg.gather [hbm4b:s1+s3], $0x80, v4, vm0, $0xb8;
	[tilespmem:$0x12000] =	vst v63  }
0x4f: {  	_ = 	snop  }
0x50: {  	[tilespmem:s5], [sflag:$0x2] =	stream.indirect_vreg.gather [hbm4b:s1+s3], $0x80, v3, vm0, $0xb8;
	[tilespmem:$0x12000] =	vst v63  }
0x51: {  	v3 =	vld [tilespmem:$0x90];
	_ =	sdelay $0x4  }
0x52: {  	v53 =	vshll.u32 v3, $0x1  }
0x53: {  	v3 =	vand.u32 $0x7, v3;
	v4 =	vand.u32 $0xFFFFFFF0, v53  }
0x54: {  	v3 =	vor.u32 v3, v4  }
0x55: {  	v4 =	vperm.xlane v3, v0;
	_ =	sdelay $0x1  }
0x56: {  	v3 =	vperm.xlane v3, v2;
	v4 =	vadd.s32 v1, v4;
	_ =	sdelay $0x1  }
0x57: {  	v3 =	vadd.s32 v1, v3;
	_ =	sdelay $0x2  }
0x58: {  	[tilespmem:s7], [sflag:$0x2] =	stream.indirect_vreg.gather [hbm4b:s1+s3], $0x80, v4, vm0, $0xb8;
	[tilespmem:$0x12000] =	vst v63  }
0x59: {  	_ = 	snop  }
0x5a: {  	[tilespmem:s8], [sflag:$0x2] =	stream.indirect_vreg.gather [hbm4b:s1+s3], $0x80, v3, vm0, $0xb8;
	[tilespmem:$0x12000] =	vst v63  }
0x5b: {  	v3 =	vld [tilespmem:$0xA0];
	_ =	sdelay $0x4  }
0x5c: {  	v54 =	vshll.u32 v3, $0x1  }
0x5d: {  	v3 =	vand.u32 $0x7, v3;
	v4 =	vand.u32 $0xFFFFFFF0, v54  }
0x5e: {  	v3 =	vor.u32 v3, v4  }
0x5f: {  	v4 =	vperm.xlane v3, v0;
	_ =	sdelay $0x1  }
0x60: {  	v3 =	vperm.xlane v3, v2;
	v4 =	vadd.s32 v1, v4;
	_ =	sdelay $0x1  }
0x61: {  	v3 =	vadd.s32 v1, v3;
	_ =	sdelay $0x2  }
0x62: {  	[tilespmem:s9], [sflag:$0x2] =	stream.indirect_vreg.gather [hbm4b:s1+s3], $0x80, v4, vm0, $0xb8;
	[tilespmem:$0x12000] =	vst v63  }
0x63: {  	_ = 	snop  }
0x64: {  	[tilespmem:s10], [sflag:$0x2] =	stream.indirect_vreg.gather [hbm4b:s1+s3], $0x80, v3, vm0, $0xb8;
	[tilespmem:$0x12000] =	vst v63  }
0x65: {  	v3 =	vld [tilespmem:$0xB0];
	_ =	sdelay $0x4  }
0x66: {  	v55 =	vshll.u32 v3, $0x1  }
0x67: {  	v3 =	vand.u32 $0x7, v3;
	v4 =	vand.u32 $0xFFFFFFF0, v55  }
0x68: {  	v3 =	vor.u32 v3, v4  }
0x69: {  	v4 =	vperm.xlane v3, v0;
	_ =	sdelay $0x1  }
0x6a: {  	v3 =	vperm.xlane v3, v2;
	v4 =	vadd.s32 v1, v4;
	_ =	sdelay $0x1  }
0x6b: {  	v3 =	vadd.s32 v1, v3;
	_ =	sdelay $0x2  }
0x6c: {  	[tilespmem:s12], [sflag:$0x2] =	stream.indirect_vreg.gather [hbm4b:s1+s3], $0x80, v4, vm0, $0xb8;
	[tilespmem:$0x12000] =	vst v63  }
0x6d: {  	_ = 	snop  }
0x6e: {  	[tilespmem:s13], [sflag:$0x2] =	stream.indirect_vreg.gather [hbm4b:s1+s3], $0x80, v3, vm0, $0xb8;
	[tilespmem:$0x12000] =	vst v63  }
0x6f: {  	v3 =	vld [tilespmem:$0x100];
	_ =	sdelay $0x4  }
0x70: {  	v56 =	vshll.u32 v3, $0x1  }
0x71: {  	v3 =	vand.u32 $0x7, v3;
	v4 =	vand.u32 $0xFFFFFFF0, v56  }
0x72: {  	v3 =	vor.u32 v3, v4  }
0x73: {  	v4 =	vperm.xlane v3, v0;
	_ =	sdelay $0x1  }
0x74: {  	v3 =	vperm.xlane v3, v2;
	v4 =	vadd.s32 v1, v4;
	_ =	sdelay $0x1  }
0x75: {  	v3 =	vadd.s32 v1, v3;
	_ =	sdelay $0x2  }
0x76: {  	[tilespmem:s31], [sflag:$0x3] =	stream.indirect_vreg.gather [hbm4b:s1+s3], $0x80, v4, vm0, $0xb8;
	[tilespmem:$0x12000] =	vst v63  }
0x77: {  	_ = 	snop  }
0x78: {  	[tilespmem:s14], [sflag:$0x3] =	stream.indirect_vreg.gather [hbm4b:s1+s3], $0x80, v3, vm0, $0xb8;
	[tilespmem:$0x12000] =	vst v63  }
0x79: {  	v3 =	vld [tilespmem:$0x110];
	_ =	sdelay $0x4  }
0x7a: {  	v57 =	vshll.u32 v3, $0x1  }
0x7b: {  	v3 =	vand.u32 $0x7, v3;
	v4 =	vand.u32 $0xFFFFFFF0, v57  }
0x7c: {  	v3 =	vor.u32 v3, v4  }
0x7d: {  	v4 =	vperm.xlane v3, v0;
	_ =	sdelay $0x1  }
0x7e: {  	v3 =	vperm.xlane v3, v2;
	v4 =	vadd.s32 v1, v4;
	_ =	sdelay $0x1  }
0x7f: {  	v3 =	vadd.s32 v1, v3;
	_ =	sdelay $0x2  }
0x80: {  	[tilespmem:s11], [sflag:$0x3] =	stream.indirect_vreg.gather [hbm4b:s1+s3], $0x80, v4, vm0, $0xb8;
	[tilespmem:$0x12000] =	vst v63  }
0x81: {  	s12 =	simm.s32 $0xB800  }
0x82: {  	[tilespmem:s12], [sflag:$0x3] =	stream.indirect_vreg.gather [hbm4b:s1+s3], $0x80, v3, vm0, $0xb8;
	[tilespmem:$0x12000] =	vst v63  }
0x83: {  	v3 =	vld [tilespmem:$0x120];
	_ =	sdelay $0x4  }
0x84: {  	v58 =	vshll.u32 v3, $0x1  }
0x85: {  	v3 =	vand.u32 $0x7, v3;
	v4 =	vand.u32 $0xFFFFFFF0, v58  }
0x86: {  	v3 =	vor.u32 v3, v4  }
0x87: {  	v4 =	vperm.xlane v3, v0;
	_ =	sdelay $0x1  }
0x88: {  	v3 =	vperm.xlane v3, v2;
	v4 =	vadd.s32 v1, v4;
	_ =	sdelay $0x1  }
0x89: {  	v3 =	vadd.s32 v1, v3;
	_ =	sdelay $0x1  }
0x8a: {  	s13 =	simm.s32 $0xC000  }
0x8b: {  	[tilespmem:s13], [sflag:$0x3] =	stream.indirect_vreg.gather [hbm4b:s1+s3], $0x80, v4, vm0, $0xb8;
	[tilespmem:$0x12000] =	vst v63  }
0x8c: {  	s14 =	simm.s32 $0xC800  }
0x8d: {  	[tilespmem:s14], [sflag:$0x3] =	stream.indirect_vreg.gather [hbm4b:s1+s3], $0x80, v3, vm0, $0xb8;
	[tilespmem:$0x12000] =	vst v63  }
0x8e: {  	v3 =	vld [tilespmem:$0x130];
	_ =	sdelay $0x4  }
0x8f: {  	v59 =	vshll.u32 v3, $0x1  }
0x90: {  	v3 =	vand.u32 $0x7, v3;
	v4 =	vand.u32 $0xFFFFFFF0, v59  }
0x91: {  	v3 =	vor.u32 v3, v4  }
0x92: {  	v4 =	vperm.xlane v3, v0;
	_ =	sdelay $0x1  }
0x93: {  	v3 =	vperm.xlane v3, v2;
	v4 =	vadd.s32 v1, v4;
	_ =	sdelay $0x1  }
0x94: {  	v3 =	vadd.s32 v1, v3;
	_ =	sdelay $0x1  }
0x95: {  	s19 =	simm.s32 $0xD000  }
0x96: {  	[tilespmem:s19], [sflag:$0x3] =	stream.indirect_vreg.gather [hbm4b:s1+s3], $0x80, v4, vm0, $0xb8;
	[tilespmem:$0x12000] =	vst v63  }
0x97: {  	s24 =	simm.s32 $0xD800  }
0x98: {  	[tilespmem:s24], [sflag:$0x3] =	stream.indirect_vreg.gather [hbm4b:s1+s3], $0x80, v3, vm0, $0xb8;
	[tilespmem:$0x12000] =	vst v63  }
0x99: {  	v3 =	vld [tilespmem:$0x180];
	_ =	sdelay $0x4  }
0x9a: {  	v60 =	vshll.u32 v3, $0x1  }
0x9b: {  	v3 =	vand.u32 $0x7, v3;
	v4 =	vand.u32 $0xFFFFFFF0, v60  }
0x9c: {  	v3 =	vor.u32 v3, v4  }
0x9d: {  	v4 =	vperm.xlane v3, v0;
	_ =	sdelay $0x1  }
0x9e: {  	v3 =	vperm.xlane v3, v2;
	v4 =	vadd.s32 v1, v4;
	_ =	sdelay $0x1  }
0x9f: {  	v3 =	vadd.s32 v1, v3;
	_ =	sdelay $0x2  }
0xa0: {  	[tilespmem:s6], [sflag:$0x4] =	stream.indirect_vreg.gather [hbm4b:s1+s3], $0x80, v4, vm0, $0xb8;
	[tilespmem:$0x12000] =	vst v63  }
0xa1: {  	s25 =	simm.s32 $0xE800  }
0xa2: {  	[tilespmem:s25], [sflag:$0x4] =	stream.indirect_vreg.gather [hbm4b:s1+s3], $0x80, v3, vm0, $0xb8;
	[tilespmem:$0x12000] =	vst v63  }
0xa3: {  	v3 =	vld [tilespmem:$0x190];
	_ =	sdelay $0x4  }
0xa4: {  	v61 =	vshll.u32 v3, $0x1  }
0xa5: {  	v3 =	vand.u32 $0x7, v3;
	v4 =	vand.u32 $0xFFFFFFF0, v61  }
0xa6: {  	v3 =	vor.u32 v3, v4  }
0xa7: {  	v4 =	vperm.xlane v3, v0;
	_ =	sdelay $0x1  }
0xa8: {  	v3 =	vperm.xlane v3, v2;
	v4 =	vadd.s32 v1, v4;
	_ =	sdelay $0x1  }
0xa9: {  	v3 =	vadd.s32 v1, v3;
	_ =	sdelay $0x1  }
0xaa: {  	s26 =	simm.s32 $0xF000  }
0xab: {  	[tilespmem:s26], [sflag:$0x4] =	stream.indirect_vreg.gather [hbm4b:s1+s3], $0x80, v4, vm0, $0xb8;
	[tilespmem:$0x12000] =	vst v63  }
0xac: {  	s28 =	simm.s32 $0xF800  }
0xad: {  	[tilespmem:s28], [sflag:$0x4] =	stream.indirect_vreg.gather [hbm4b:s1+s3], $0x80, v3, vm0, $0xb8;
	[tilespmem:$0x12000] =	vst v63  }
0xae: {  	v3 =	vld [tilespmem:$0x1A0];
	_ =	sdelay $0x4  }
0xaf: {  	v62 =	vshll.u32 v3, $0x1  }
0xb0: {  	v3 =	vand.u32 $0x7, v3;
	v4 =	vand.u32 $0xFFFFFFF0, v62  }
0xb1: {  	v3 =	vor.u32 v3, v4  }
0xb2: {  	v4 =	vperm.xlane v3, v0;
	_ =	sdelay $0x1  }
0xb3: {  	v3 =	vperm.xlane v3, v2;
	v4 =	vadd.s32 v1, v4;
	_ =	sdelay $0x1  }
0xb4: {  	v3 =	vadd.s32 v1, v3;
	_ =	sdelay $0x1  }
0xb5: {  	s29 =	simm.s32 $0x10000  }
0xb6: {  	[tilespmem:s29], [sflag:$0x4] =	stream.indirect_vreg.gather [hbm4b:s1+s3], $0x80, v4, vm0, $0xb8;
	[tilespmem:$0x12000] =	vst v63  }
0xb7: {  	s31 =	simm.s32 $0x10800  }
0xb8: {  	[tilespmem:s31], [sflag:$0x4] =	stream.indirect_vreg.gather [hbm4b:s1+s3], $0x80, v3, vm0, $0xb8;
	[tilespmem:$0x12000] =	vst v63  }
0xb9: {  	v3 =	vld [tilespmem:$0x1B0];
	_ =	sdelay $0x4  }
0xba: {  	v63 =	vshll.u32 v3, $0x1  }
0xbb: {  	v3 =	vand.u32 $0x7, v3;
	v4 =	vand.u32 $0xFFFFFFF0, v63  }
0xbc: {  	v3 =	vor.u32 v3, v4  }
0xbd: {  	v4 =	vperm.xlane v3, v0;
	_ =	sdelay $0x1  }
0xbe: {  	v3 =	vperm.xlane v3, v2;
	v4 =	vadd.s32 v1, v4  }
0xbf: {  	s30 =	simm.s32 $0x11000;
	s2 =	simm.s32 $0x11800  }
0xc0: {  	s4 =	simm.s32 $0x5800;
	s5 =	simm.s32 $0x6800;
	s7 =	simm.s32 $0x7000;
	v3 =	vadd.s32 v1, v3  }
0xc1: {  	s8 =	simm.s32 $0x7800;
	s9 =	simm.s32 $0x8000;
	s10 =	simm.s32 $0x8800  }
0xc2: {  	s11 =	simm.s32 $0xB000;
	s12 =	simm.s32 $0x9000;
	s13 =	simm.s32 $0x9800  }
0xc3: {  	[tilespmem:s30], [sflag:$0x4] =	stream.indirect_vreg.gather [hbm4b:s1+s3], $0x80, v4, vm0, $0xb8;
	[tilespmem:$0x12000] =	vst v63  }
0xc4: {  	s14 =	simm.s32 $0xA800;
	s24 =	simm.s32 $0x3B0;
	s25 =	simm.s32 $0x0  }
0xc5: {  	[tilespmem:s2], [sflag:$0x4] =	stream.indirect_vreg.gather [hbm4b:s1+s3], $0x80, v3, vm0, $0xb8;
	[tilespmem:$0x12000] =	vst v63  }
.LBB2_2:
0xc6: {  	_ =	swait.ge [sflag:s15], $0x4000  }
0xc7: {  	s26 =	rddreg [dreg:$0x4];
	[sflag:s15] =	ssyncset.done $0x0  }
0xc8: {  	s28 =	simm.s32 $0x2000;
	[sflag:s15] =	ssyncadd.s32 $0xFFFFC000;
	s26 =	sadd.s32 s25, s26  }
0xc9: {  	[hbm4b:s26+s3] =	stream.linear.scatter [tilespmem:s28], [sflag:$0x5], $0x4000, $0x38;
	[tilespmem:$0x12000] =	vst v63  }
0xca: {  	_ =	swait.ge [sflag:s16], $0x4000  }
0xcb: {  	[sflag:s16] =	ssyncset.done $0x0  }
0xcc: {  	s31 =	simm.s32 $0x6000;
	s29 =	sadd.s32 $0x800, s26;
	[sflag:s16] =	ssyncadd.s32 $0xFFFFC000  }
0xcd: {  	[hbm4b:s29+s3] =	stream.linear.scatter [tilespmem:s31], [sflag:$0x6], $0x4000, $0x38;
	[tilespmem:$0x12000] =	vst v63  }
0xce: {  	_ =	swait.ge [sflag:s17], $0x4000  }
0xcf: {  	[sflag:s17] =	ssyncset.done $0x0  }
0xd0: {  	s0 =	simm.s32 $0xA000;
	s29 =	sadd.s32 $0x1000, s26;
	[sflag:s17] =	ssyncadd.s32 $0xFFFFC000  }
0xd1: {  	[hbm4b:s29+s3] =	stream.linear.scatter [tilespmem:s0], [sflag:$0x7], $0x4000, $0x38;
	[tilespmem:$0x12000] =	vst v63  }
0xd2: {  	_ =	swait.ge [sflag:s18], $0x4000  }
0xd3: {  	[sflag:s18] =	ssyncset.done $0x0  }
0xd4: {  	s26 =	sadd.s32 $0x1800, s26;
	[sflag:s18] =	ssyncadd.s32 $0xFFFFC000  }
0xd5: {  	[hbm4b:s26+s3] =	stream.linear.scatter [tilespmem:s6], [sflag:$0x8], $0x4000, $0x38;
	[tilespmem:$0x12000] =	vst v63  }
0xd6: {  	_ =	swait.ge [sflag:s20], $0x4000  }
0xd7: {  	[sflag:s20] =	ssyncset.done $0x0  }
0xd8: {  	[sflag:s20] =	ssyncadd.s32 $0xFFFFC000  }
0xd9: {  	v3 =	vld [tilespmem:s24+$0xFFFFFE50];
	_ =	sdelay $0x4  }
0xda: {  	v4 =	vshll.u32 v3, $0x1  }
0xdb: {  	v3 =	vand.u32 $0x7, v3;
	v4 =	vand.u32 $0xFFFFFFF0, v4  }
0xdc: {  	v3 =	vor.u32 v3, v4  }
0xdd: {  	v4 =	vperm.xlane v3, v0;
	_ =	sdelay $0x1  }
0xde: {  	v3 =	vperm.xlane v3, v2;
	v4 =	vadd.s32 v1, v4;
	_ =	sdelay $0x1  }
0xdf: {  	v3 =	vadd.s32 v1, v3;
	_ =	sdelay $0x2  }
0xe0: {  	[tilespmem:s28], [sflag:$0x1] =	stream.indirect_vreg.gather [hbm4b:s1+s3], $0x80, v4, vm0, $0xb8;
	[tilespmem:$0x12000] =	vst v63  }
0xe1: {  	s26 =	simm.s32 $0x2800  }
0xe2: {  	[tilespmem:s26], [sflag:$0x1] =	stream.indirect_vreg.gather [hbm4b:s1+s3], $0x80, v3, vm0, $0xb8;
	[tilespmem:$0x12000] =	vst v63  }
0xe3: {  	v3 =	vld [tilespmem:s24+$0xFFFFFE60];
	_ =	sdelay $0x4  }
0xe4: {  	v49 =	vshll.u32 v3, $0x1  }
0xe5: {  	v3 =	vand.u32 $0x7, v3;
	v4 =	vand.u32 $0xFFFFFFF0, v49  }
0xe6: {  	v3 =	vor.u32 v3, v4  }
0xe7: {  	v4 =	vperm.xlane v3, v0;
	_ =	sdelay $0x1  }
0xe8: {  	v3 =	vperm.xlane v3, v2;
	v4 =	vadd.s32 v1, v4;
	_ =	sdelay $0x1  }
0xe9: {  	v3 =	vadd.s32 v1, v3;
	_ =	sdelay $0x1  }
0xea: {  	s29 =	simm.s32 $0x3000  }
0xeb: {  	[tilespmem:s29], [sflag:$0x1] =	stream.indirect_vreg.gather [hbm4b:s1+s3], $0x80, v4, vm0, $0xb8;
	[tilespmem:$0x12000] =	vst v63  }
0xec: {  	s28 =	simm.s32 $0x3800  }
0xed: {  	[tilespmem:s28], [sflag:$0x1] =	stream.indirect_vreg.gather [hbm4b:s1+s3], $0x80, v3, vm0, $0xb8;
	[tilespmem:$0x12000] =	vst v63  }
0xee: {  	v3 =	vld [tilespmem:s24+$0xFFFFFE70];
	_ =	sdelay $0x4  }
0xef: {  	v50 =	vshll.u32 v3, $0x1  }
0xf0: {  	v3 =	vand.u32 $0x7, v3;
	v4 =	vand.u32 $0xFFFFFFF0, v50  }
0xf1: {  	v3 =	vor.u32 v3, v4  }
0xf2: {  	v4 =	vperm.xlane v3, v0;
	_ =	sdelay $0x1  }
0xf3: {  	v3 =	vperm.xlane v3, v2;
	v4 =	vadd.s32 v1, v4;
	_ =	sdelay $0x1  }
0xf4: {  	v3 =	vadd.s32 v1, v3;
	_ =	sdelay $0x1  }
0xf5: {  	s28 =	simm.s32 $0x4000  }
0xf6: {  	[tilespmem:s28], [sflag:$0x1] =	stream.indirect_vreg.gather [hbm4b:s1+s3], $0x80, v4, vm0, $0xb8;
	[tilespmem:$0x12000] =	vst v63  }
0xf7: {  	s28 =	simm.s32 $0x4800  }
0xf8: {  	[tilespmem:s28], [sflag:$0x1] =	stream.indirect_vreg.gather [hbm4b:s1+s3], $0x80, v3, vm0, $0xb8;
	[tilespmem:$0x12000] =	vst v63  }
0xf9: {  	v3 =	vld [tilespmem:s24+$0xFFFFFE80];
	_ =	sdelay $0x4  }
0xfa: {  	v51 =	vshll.u32 v3, $0x1  }
0xfb: {  	v3 =	vand.u32 $0x7, v3;
	v4 =	vand.u32 $0xFFFFFFF0, v51  }
0xfc: {  	v3 =	vor.u32 v3, v4  }
0xfd: {  	v4 =	vperm.xlane v3, v0;
	_ =	sdelay $0x1  }
0xfe: {  	v3 =	vperm.xlane v3, v2;
	v4 =	vadd.s32 v1, v4;
	_ =	sdelay $0x1  }
0xff: {  	v3 =	vadd.s32 v1, v3;
	_ =	sdelay $0x1  }
0x100: {  	s28 =	simm.s32 $0x5000  }
0x101: {  	[tilespmem:s28], [sflag:$0x1] =	stream.indirect_vreg.gather [hbm4b:s1+s3], $0x80, v4, vm0, $0xb8;
	[tilespmem:$0x12000] =	vst v63  }
0x102: {  	_ = 	snop  }
0x103: {  	[tilespmem:s4], [sflag:$0x1] =	stream.indirect_vreg.gather [hbm4b:s1+s3], $0x80, v3, vm0, $0xb8;
	[tilespmem:$0x12000] =	vst v63  }
0x104: {  	_ =	swait.ge [sflag:s21], $0x4000  }
0x105: {  	[sflag:s21] =	ssyncset.done $0x0  }
0x106: {  	[sflag:s21] =	ssyncadd.s32 $0xFFFFC000  }
0x107: {  	v3 =	vld [tilespmem:s24+$0xFFFFFED0];
	_ =	sdelay $0x4  }
0x108: {  	v52 =	vshll.u32 v3, $0x1  }
0x109: {  	v3 =	vand.u32 $0x7, v3;
	v4 =	vand.u32 $0xFFFFFFF0, v52  }
0x10a: {  	v3 =	vor.u32 v3, v4  }
0x10b: {  	v4 =	vperm.xlane v3, v0;
	_ =	sdelay $0x1  }
0x10c: {  	v3 =	vperm.xlane v3, v2;
	v4 =	vadd.s32 v1, v4;
	_ =	sdelay $0x1  }
0x10d: {  	v3 =	vadd.s32 v1, v3;
	_ =	sdelay $0x2  }
0x10e: {  	[tilespmem:s31], [sflag:$0x2] =	stream.indirect_vreg.gather [hbm4b:s1+s3], $0x80, v4, vm0, $0xb8;
	[tilespmem:$0x12000] =	vst v63  }
0x10f: {  	_ = 	snop  }
0x110: {  	[tilespmem:s5], [sflag:$0x2] =	stream.indirect_vreg.gather [hbm4b:s1+s3], $0x80, v3, vm0, $0xb8;
	[tilespmem:$0x12000] =	vst v63  }
0x111: {  	v3 =	vld [tilespmem:s24+$0xFFFFFEE0];
	_ =	sdelay $0x4  }
0x112: {  	v53 =	vshll.u32 v3, $0x1  }
0x113: {  	v3 =	vand.u32 $0x7, v3;
	v4 =	vand.u32 $0xFFFFFFF0, v53  }
0x114: {  	v3 =	vor.u32 v3, v4  }
0x115: {  	v4 =	vperm.xlane v3, v0;
	_ =	sdelay $0x1  }
0x116: {  	v3 =	vperm.xlane v3, v2;
	v4 =	vadd.s32 v1, v4;
	_ =	sdelay $0x1  }
0x117: {  	v3 =	vadd.s32 v1, v3;
	_ =	sdelay $0x2  }
0x118: {  	[tilespmem:s7], [sflag:$0x2] =	stream.indirect_vreg.gather [hbm4b:s1+s3], $0x80, v4, vm0, $0xb8;
	[tilespmem:$0x12000] =	vst v63  }
0x119: {  	_ = 	snop  }
0x11a: {  	[tilespmem:s8], [sflag:$0x2] =	stream.indirect_vreg.gather [hbm4b:s1+s3], $0x80, v3, vm0, $0xb8;
	[tilespmem:$0x12000] =	vst v63  }
0x11b: {  	v3 =	vld [tilespmem:s24+$0xFFFFFEF0];
	_ =	sdelay $0x4  }
0x11c: {  	v54 =	vshll.u32 v3, $0x1  }
0x11d: {  	v3 =	vand.u32 $0x7, v3;
	v4 =	vand.u32 $0xFFFFFFF0, v54  }
0x11e: {  	v3 =	vor.u32 v3, v4  }
0x11f: {  	v4 =	vperm.xlane v3, v0;
	_ =	sdelay $0x1  }
0x120: {  	v3 =	vperm.xlane v3, v2;
	v4 =	vadd.s32 v1, v4;
	_ =	sdelay $0x1  }
0x121: {  	v3 =	vadd.s32 v1, v3;
	_ =	sdelay $0x2  }
0x122: {  	[tilespmem:s9], [sflag:$0x2] =	stream.indirect_vreg.gather [hbm4b:s1+s3], $0x80, v4, vm0, $0xb8;
	[tilespmem:$0x12000] =	vst v63  }
0x123: {  	_ = 	snop  }
0x124: {  	[tilespmem:s10], [sflag:$0x2] =	stream.indirect_vreg.gather [hbm4b:s1+s3], $0x80, v3, vm0, $0xb8;
	[tilespmem:$0x12000] =	vst v63  }
0x125: {  	v3 =	vld [tilespmem:s24+$0xFFFFFF00];
	_ =	sdelay $0x4  }
0x126: {  	v55 =	vshll.u32 v3, $0x1  }
0x127: {  	v3 =	vand.u32 $0x7, v3;
	v4 =	vand.u32 $0xFFFFFFF0, v55  }
0x128: {  	v3 =	vor.u32 v3, v4  }
0x129: {  	v4 =	vperm.xlane v3, v0;
	_ =	sdelay $0x1  }
0x12a: {  	v3 =	vperm.xlane v3, v2;
	v4 =	vadd.s32 v1, v4;
	_ =	sdelay $0x1  }
0x12b: {  	v3 =	vadd.s32 v1, v3;
	_ =	sdelay $0x2  }
0x12c: {  	[tilespmem:s12], [sflag:$0x2] =	stream.indirect_vreg.gather [hbm4b:s1+s3], $0x80, v4, vm0, $0xb8;
	[tilespmem:$0x12000] =	vst v63  }
0x12d: {  	_ = 	snop  }
0x12e: {  	[tilespmem:s13], [sflag:$0x2] =	stream.indirect_vreg.gather [hbm4b:s1+s3], $0x80, v3, vm0, $0xb8;
	[tilespmem:$0x12000] =	vst v63  }
0x12f: {  	_ =	swait.ge [sflag:s22], $0x4000  }
0x130: {  	[sflag:s22] =	ssyncset.done $0x0  }
0x131: {  	[sflag:s22] =	ssyncadd.s32 $0xFFFFC000  }
0x132: {  	v3 =	vld [tilespmem:s24+$0xFFFFFF50];
	_ =	sdelay $0x4  }
0x133: {  	v56 =	vshll.u32 v3, $0x1  }
0x134: {  	v3 =	vand.u32 $0x7, v3;
	v4 =	vand.u32 $0xFFFFFFF0, v56  }
0x135: {  	v3 =	vor.u32 v3, v4  }
0x136: {  	v4 =	vperm.xlane v3, v0;
	_ =	sdelay $0x1  }
0x137: {  	v3 =	vperm.xlane v3, v2;
	v4 =	vadd.s32 v1, v4;
	_ =	sdelay $0x1  }
0x138: {  	v3 =	vadd.s32 v1, v3;
	_ =	sdelay $0x2  }
0x139: {  	[tilespmem:s0], [sflag:$0x3] =	stream.indirect_vreg.gather [hbm4b:s1+s3], $0x80, v4, vm0, $0xb8;
	[tilespmem:$0x12000] =	vst v63  }
0x13a: {  	_ = 	snop  }
0x13b: {  	[tilespmem:s14], [sflag:$0x3] =	stream.indirect_vreg.gather [hbm4b:s1+s3], $0x80, v3, vm0, $0xb8;
	[tilespmem:$0x12000] =	vst v63  }
0x13c: {  	v3 =	vld [tilespmem:s24+$0xFFFFFF60];
	_ =	sdelay $0x4  }
0x13d: {  	v57 =	vshll.u32 v3, $0x1  }
0x13e: {  	v3 =	vand.u32 $0x7, v3;
	v4 =	vand.u32 $0xFFFFFFF0, v57  }
0x13f: {  	v3 =	vor.u32 v3, v4  }
0x140: {  	v4 =	vperm.xlane v3, v0;
	_ =	sdelay $0x1  }
0x141: {  	v3 =	vperm.xlane v3, v2;
	v4 =	vadd.s32 v1, v4;
	_ =	sdelay $0x1  }
0x142: {  	v3 =	vadd.s32 v1, v3;
	_ =	sdelay $0x2  }
0x143: {  	[tilespmem:s11], [sflag:$0x3] =	stream.indirect_vreg.gather [hbm4b:s1+s3], $0x80, v4, vm0, $0xb8;
	[tilespmem:$0x12000] =	vst v63  }
0x144: {  	s0 =	simm.s32 $0xB800  }
0x145: {  	[tilespmem:s0], [sflag:$0x3] =	stream.indirect_vreg.gather [hbm4b:s1+s3], $0x80, v3, vm0, $0xb8;
	[tilespmem:$0x12000] =	vst v63  }
0x146: {  	v3 =	vld [tilespmem:s24+$0xFFFFFF70];
	_ =	sdelay $0x4  }
0x147: {  	v58 =	vshll.u32 v3, $0x1  }
0x148: {  	v3 =	vand.u32 $0x7, v3;
	v4 =	vand.u32 $0xFFFFFFF0, v58  }
0x149: {  	v3 =	vor.u32 v3, v4  }
0x14a: {  	v4 =	vperm.xlane v3, v0;
	_ =	sdelay $0x1  }
0x14b: {  	v3 =	vperm.xlane v3, v2;
	v4 =	vadd.s32 v1, v4;
	_ =	sdelay $0x1  }
0x14c: {  	v3 =	vadd.s32 v1, v3;
	_ =	sdelay $0x1  }
0x14d: {  	s0 =	simm.s32 $0xC000  }
0x14e: {  	[tilespmem:s0], [sflag:$0x3] =	stream.indirect_vreg.gather [hbm4b:s1+s3], $0x80, v4, vm0, $0xb8;
	[tilespmem:$0x12000] =	vst v63  }
0x14f: {  	s0 =	simm.s32 $0xC800  }
0x150: {  	[tilespmem:s0], [sflag:$0x3] =	stream.indirect_vreg.gather [hbm4b:s1+s3], $0x80, v3, vm0, $0xb8;
	[tilespmem:$0x12000] =	vst v63  }
0x151: {  	v3 =	vld [tilespmem:s24+$0xFFFFFF80];
	_ =	sdelay $0x4  }
0x152: {  	v59 =	vshll.u32 v3, $0x1  }
0x153: {  	v3 =	vand.u32 $0x7, v3;
	v4 =	vand.u32 $0xFFFFFFF0, v59  }
0x154: {  	v3 =	vor.u32 v3, v4  }
0x155: {  	v4 =	vperm.xlane v3, v0;
	_ =	sdelay $0x1  }
0x156: {  	v3 =	vperm.xlane v3, v2;
	v4 =	vadd.s32 v1, v4;
	_ =	sdelay $0x1  }
0x157: {  	v3 =	vadd.s32 v1, v3;
	_ =	sdelay $0x1  }
0x158: {  	s0 =	simm.s32 $0xD000  }
0x159: {  	[tilespmem:s0], [sflag:$0x3] =	stream.indirect_vreg.gather [hbm4b:s1+s3], $0x80, v4, vm0, $0xb8;
	[tilespmem:$0x12000] =	vst v63  }
0x15a: {  	s0 =	simm.s32 $0xD800  }
0x15b: {  	[tilespmem:s0], [sflag:$0x3] =	stream.indirect_vreg.gather [hbm4b:s1+s3], $0x80, v3, vm0, $0xb8;
	[tilespmem:$0x12000] =	vst v63  }
0x15c: {  	_ =	swait.ge [sflag:s23], $0x4000  }
0x15d: {  	[sflag:s23] =	ssyncset.done $0x0  }
0x15e: {  	[sflag:s23] =	ssyncadd.s32 $0xFFFFC000  }
0x15f: {  	v3 =	vld [tilespmem:s24+$0xFFFFFFD0];
	_ =	sdelay $0x4  }
0x160: {  	v60 =	vshll.u32 v3, $0x1  }
0x161: {  	v3 =	vand.u32 $0x7, v3;
	v4 =	vand.u32 $0xFFFFFFF0, v60  }
0x162: {  	v3 =	vor.u32 v3, v4  }
0x163: {  	v4 =	vperm.xlane v3, v0;
	_ =	sdelay $0x1  }
0x164: {  	v3 =	vperm.xlane v3, v2;
	v4 =	vadd.s32 v1, v4;
	_ =	sdelay $0x1  }
0x165: {  	v3 =	vadd.s32 v1, v3;
	_ =	sdelay $0x2  }
0x166: {  	[tilespmem:s6], [sflag:$0x4] =	stream.indirect_vreg.gather [hbm4b:s1+s3], $0x80, v4, vm0, $0xb8;
	[tilespmem:$0x12000] =	vst v63  }
0x167: {  	s0 =	simm.s32 $0xE800  }
0x168: {  	[tilespmem:s0], [sflag:$0x4] =	stream.indirect_vreg.gather [hbm4b:s1+s3], $0x80, v3, vm0, $0xb8;
	[tilespmem:$0x12000] =	vst v63  }
0x169: {  	v3 =	vld [tilespmem:s24+$0xFFFFFFE0];
	_ =	sdelay $0x4  }
0x16a: {  	v61 =	vshll.u32 v3, $0x1  }
0x16b: {  	v3 =	vand.u32 $0x7, v3;
	v4 =	vand.u32 $0xFFFFFFF0, v61  }
0x16c: {  	v3 =	vor.u32 v3, v4  }
0x16d: {  	v4 =	vperm.xlane v3, v0;
	_ =	sdelay $0x1  }
0x16e: {  	v3 =	vperm.xlane v3, v2;
	v4 =	vadd.s32 v1, v4;
	_ =	sdelay $0x1  }
0x16f: {  	v3 =	vadd.s32 v1, v3;
	_ =	sdelay $0x1  }
0x170: {  	s0 =	simm.s32 $0xF000  }
0x171: {  	[tilespmem:s0], [sflag:$0x4] =	stream.indirect_vreg.gather [hbm4b:s1+s3], $0x80, v4, vm0, $0xb8;
	[tilespmem:$0x12000] =	vst v63  }
0x172: {  	s0 =	simm.s32 $0xF800  }
0x173: {  	[tilespmem:s0], [sflag:$0x4] =	stream.indirect_vreg.gather [hbm4b:s1+s3], $0x80, v3, vm0, $0xb8;
	[tilespmem:$0x12000] =	vst v63  }
0x174: {  	v3 =	vld [tilespmem:s24+$0xFFFFFFF0];
	_ =	sdelay $0x4  }
0x175: {  	v62 =	vshll.u32 v3, $0x1  }
0x176: {  	v3 =	vand.u32 $0x7, v3;
	v4 =	vand.u32 $0xFFFFFFF0, v62  }
0x177: {  	v3 =	vor.u32 v3, v4  }
0x178: {  	v4 =	vperm.xlane v3, v0;
	_ =	sdelay $0x1  }
0x179: {  	v3 =	vperm.xlane v3, v2;
	v4 =	vadd.s32 v1, v4;
	_ =	sdelay $0x1  }
0x17a: {  	v3 =	vadd.s32 v1, v3;
	_ =	sdelay $0x1  }
0x17b: {  	s0 =	simm.s32 $0x10000  }
0x17c: {  	[tilespmem:s0], [sflag:$0x4] =	stream.indirect_vreg.gather [hbm4b:s1+s3], $0x80, v4, vm0, $0xb8;
	[tilespmem:$0x12000] =	vst v63  }
0x17d: {  	s0 =	simm.s32 $0x10800  }
0x17e: {  	[tilespmem:s0], [sflag:$0x4] =	stream.indirect_vreg.gather [hbm4b:s1+s3], $0x80, v3, vm0, $0xb8;
	[tilespmem:$0x12000] =	vst v63  }
0x17f: {  	v3 =	vld [tilespmem:s24+$0x0];
	_ =	sdelay $0x4  }
0x180: {  	v63 =	vshll.u32 v3, $0x1  }
0x181: {  	v3 =	vand.u32 $0x7, v3;
	v4 =	vand.u32 $0xFFFFFFF0, v63  }
0x182: {  	v3 =	vor.u32 v3, v4  }
0x183: {  	v4 =	vperm.xlane v3, v0;
	_ =	sdelay $0x1  }
0x184: {  	v3 =	vperm.xlane v3, v2;
	v4 =	vadd.s32 v1, v4;
	_ =	sdelay $0x1  }
0x185: {  	p0 =	sne.s32 s25, $0x1C000;
	v3 =	vadd.s32 v1, v3  }
.Ltmp0:
0x186: {  	_ = 	snop;
	(pc) =	sbr.rel @p0 .LBB2_2-.Ltmp0, $4  }
0x187: {  	s19 =	simm.s32 $0x2000;
	s25 =	sadd.s32 $0x2000, s25  }
0x188: {  	[tilespmem:s30], [sflag:$0x4] =	stream.indirect_vreg.gather [hbm4b:s1+s3], $0x80, v4, vm0, $0xb8;
	[tilespmem:$0x12000] =	vst v63  }
0x189: {  	s28 =	simm.s32 $0x6000;
	s31 =	simm.s32 $0xA000;
	s24 =	sadd.s32 $0x200, s24  }
0x18a: {  	[tilespmem:s2], [sflag:$0x4] =	stream.indirect_vreg.gather [hbm4b:s1+s3], $0x80, v3, vm0, $0xb8;
	[tilespmem:$0x12000] =	vst v63  }
0x18b: {  	_ =	swait.ge [sflag:s15], $0x4000  }
0x18c: {  	[sflag:s15] =	ssyncset.done $0x0  }
0x18d: {  	s24 =	rddreg [dreg:$0x6];
	[sflag:s15] =	ssyncadd.s32 $0xFFFFC000  }
0x18e: {  	[hbm4b:s24+s3] =	stream.linear.scatter [tilespmem:s19], [sflag:$0x5], $0x4000, $0x38;
	[tilespmem:$0x12000] =	vst v63  }
0x18f: {  	_ =	swait.ge [sflag:s16], $0x4000  }
0x190: {  	[sflag:s16] =	ssyncset.done $0x0  }
0x191: {  	s12 =	rddreg [dreg:$0x7];
	[sflag:s16] =	ssyncadd.s32 $0xFFFFC000  }
0x192: {  	[hbm4b:s12+s3] =	stream.linear.scatter [tilespmem:s28], [sflag:$0x6], $0x4000, $0x38;
	[tilespmem:$0x12000] =	vst v63  }
0x193: {  	_ =	swait.ge [sflag:s17], $0x4000  }
0x194: {  	[sflag:s17] =	ssyncset.done $0x0  }
0x195: {  	s13 =	rddreg [dreg:$0x8];
	[sflag:s17] =	ssyncadd.s32 $0xFFFFC000  }
0x196: {  	[hbm4b:s13+s3] =	stream.linear.scatter [tilespmem:s31], [sflag:$0x7], $0x4000, $0x38;
	[tilespmem:$0x12000] =	vst v63  }
0x197: {  	_ =	swait.ge [sflag:s18], $0x4000  }
0x198: {  	[sflag:s18] =	ssyncset.done $0x0  }
0x199: {  	s14 =	rddreg [dreg:$0x9];
	[sflag:s18] =	ssyncadd.s32 $0xFFFFC000  }
0x19a: {  	[hbm4b:s14+s3] =	stream.linear.scatter [tilespmem:s6], [sflag:$0x8], $0x4000, $0x38;
	[tilespmem:$0x12000] =	vst v63  }
0x19b: {  	_ =	swait.ge [sflag:s20], $0x4000  }
0x19c: {  	[sflag:s20] =	ssyncset.done $0x0  }
0x19d: {  	[sflag:s20] =	ssyncadd.s32 $0xFFFFC000  }
0x19e: {  	_ =	swait.ge [sflag:s21], $0x4000  }
0x19f: {  	[sflag:s21] =	ssyncset.done $0x0  }
0x1a0: {  	[sflag:s21] =	ssyncadd.s32 $0xFFFFC000  }
0x1a1: {  	_ =	swait.ge [sflag:s22], $0x4000  }
0x1a2: {  	[sflag:s22] =	ssyncset.done $0x0  }
0x1a3: {  	[sflag:s22] =	ssyncadd.s32 $0xFFFFC000  }
0x1a4: {  	_ =	swait.ge [sflag:s23], $0x4000  }
0x1a5: {  	s0 =	rddreg [dreg:$0xb]  }
0x1a6: {  	s30 =	simm.s32 $0x4000;
	s25 =	rddreg [dreg:$0xa];
	s0 =	sadd.s32 $0x1, s0  }
0x1a7: {  	s2 =	simm.s32 $0x5000;
	s4 =	simm.s32 $0x5800;
	p0 =	sne.s32 s0, s25  }
.Ltmp1:
0x1a8: {  	s5 =	simm.s32 $0x6800;
	s7 =	simm.s32 $0x7000;
	(pc) =	sbr.rel @p0 .LBB2_1-.Ltmp1, $4  }
0x1a9: {  	s8 =	simm.s32 $0x7800;
	s9 =	simm.s32 $0x8000;
	s10 =	simm.s32 $0x8800  }
0x1aa: {  	s11 =	simm.s32 $0xB000;
	s12 =	simm.s32 $0x9000;
	[sflag:s23] =	ssyncset.done $0x0  }
0x1ab: {  	s13 =	simm.s32 $0x9800;
	s14 =	simm.s32 $0xA800;
	[sflag:s23] =	ssyncadd.s32 $0xFFFFC000  }
0x1ac: {  	[dreg:$0xb] =	wrdreg s0;
	s25 =	simm.s32 $0x3800;
	s0 =	simm.s32 $0x4800  }
0x1ad: {  	_ =	sfence.sel $0x180000  }
0x1ae: {  	[bflag:$0x0] =	sbarrier.arrive $0xFFFF  }
0x1af: {  	_ =	strace $0x90000047  }
0x1b0: {  	s0 =	stileid.u32;
	[bflag:$0x2] =	sbarrier.arrive $0xFFFF  }
0x1b1: {  	p0 =	sne.s32 s0, $0x0;
	s0 =	rddreg [dreg:$0x3]  }
0x1b2: {  	s0 =	sadd.s32 @!p0 $0x100000, s0  }
0x1b3: {  	[sflag:s0] =	ssyncadd.tile.s32 @!p0 $0x1;
	_ =	shalt  }
.Lfunc_end2:
_tile_overlayer_lowered:
.L_overlay_start_2:
0x1b4: {  	(tag) =	ssettag $0x2  }
0x1b5: {  	s0 =	rddreg [dreg:$0x0];
	s2 =	stileid.u32  }
0x1b6: {  	s1 =	rddreg [dreg:$0x1];
	p0 =	sne.s32 s2, $0x0  }
0x1b7: {  	s3 =	rddreg [dreg:$0x2];
	[bflag:$0x3] =	sbarrier.arrive $0xFFFF;
	s2 =	simm.s32 @!p0 $0x1C09  }
0x1b8: {  	[timem:s3], [sflag:s2] =	dma.local @!p0 [hbm:s0], s1  }
0x1b9: {  	s0 =	simm.s32 @!p0 $0x9  }
0x1ba: {  	_ =	swait.ge @!p0 [sflag:s0], s1  }
0x1bb: {  	s1 =	ssub.s32 @!p0 $0x0, s1;
	[sflag:s0] =	ssyncset.done @!p0 $0x0  }
0x1bc: {  	[sflag:s0] =	ssyncadd.s32 @!p0 s1  }
0x1bd: {  	[bflag:$0x3] =	sbarrier.arrive $0xFFFF  }
0x1be: {  	_ =	shalt  }

</sc_bundles>
